<compile_context>
chip_gen: v7x
topology: tpu7x:2x2x1
jax: 0.10.2.dev20260603
libtpu: 0.0.44.dev20260713+nightly
codegen_flags: <defaults>
</compile_context>

<pallas_src>
import functools

import jax
import jax.numpy as jnp
from jax import lax
from jax.experimental import pallas as pl
from jax.experimental.pallas import tpu as pltpu
from jax.experimental.pallas import tpu_sc as plsc

_N = 1048576
_NC = 2
_NS = 16
_NW = _NC * _NS
_BPW = _N // _NW
_LANES = 16
_ENTRIES = 54
_P = 8
_CPP = _BPW // _P

_mesh = plsc.VectorSubcoreMesh(core_axis_name="c", subcore_axis_name="s")


@functools.partial(
    pl.kernel,
    out_type=jax.ShapeDtypeStruct((_N,), jnp.float32),
    mesh=_mesh,
    compiler_params=pltpu.CompilerParams(needs_layout_passes=False),
    scratch_types=[
        pltpu.VMEM((_BPW,), jnp.int32),
        pltpu.VMEM((_BPW,), jnp.int32),
        pltpu.VMEM((_BPW,), jnp.float32),
        pltpu.VMEM((_ENTRIES * _LANES,), jnp.float32),
        [pltpu.SemaphoreType.DMA] * (3 * _P + 1),
    ],
)
def _gather_kernel(z_hbm, q_hbm, tab_hbm, out_hbm, z_v, q_v, o_v, tab_v, sems):
    wid = lax.axis_index("s") * _NC + lax.axis_index("c")
    base = wid * _BPW

    tab_cp = pltpu.async_copy(tab_hbm, tab_v, sems[3 * _P])
    in_cps = []
    for p in range(_P):
        off = p * _CPP
        zc = pltpu.async_copy(z_hbm.at[pl.ds(base + off, _CPP)],
                              z_v.at[pl.ds(off, _CPP)], sems[p])
        qc = pltpu.async_copy(q_hbm.at[pl.ds(base + off, _CPP)],
                              q_v.at[pl.ds(off, _CPP)], sems[_P + p])
        in_cps.append((zc, qc))
    tab_cp.wait()

    lane = lax.iota(jnp.int32, _LANES)
    out_cps = []
    for p in range(_P):
        off = p * _CPP
        zc, qc = in_cps[p]
        zc.wait()
        qc.wait()

        @plsc.parallel_loop(off, off + _CPP, step=_LANES, unroll=8)
        def _body(i):
            idx = z_v[pl.ds(i, _LANES)] * 3 + q_v[pl.ds(i, _LANES)]
            slot = idx * _LANES + lane
            o_v[pl.ds(i, _LANES)] = plsc.load_gather(tab_v, [slot])

        out_cps.append(
            pltpu.async_copy(o_v.at[pl.ds(off, _CPP)],
                             out_hbm.at[pl.ds(base + off, _CPP)],
                             sems[2 * _P + p]))
    for cp in out_cps:
        cp.wait()


def kernel(z, charge, energy_table):
    tab_rep = jnp.tile(energy_table.reshape(_ENTRIES, 1), (1, _LANES)).reshape(-1)
    return _gather_kernel(z, charge, tab_rep)

# --- scband reference (transcript-rebuilt; emitter-appended) ---
"""Pipeline reference for scband-atomic-energies-block-40089224740934 (READ-ONLY COPY).

The authoritative reference and input builder live on the scoring server;
editing this copy changes nothing except your own understanding.
"""

import jax, jax.numpy as jnp
import numpy as np

Z_MAX = 17
N_CHARGES = 3
N = 1048576
CHARGE_OFFSET = 0


def _build_table():
    z = np.arange(Z_MAX + 1, dtype=np.float32)
    q = np.arange(N_CHARGES, dtype=np.float32)
    table = -(z[:, None] + 1.0) - 0.1 * q[None, :]
    return jnp.asarray(table, dtype=jnp.float32)


def setup_inputs(seed: int = 0) -> dict:
    key = jax.random.key(seed)
    k1, k2 = jax.random.split(key)
    z = jax.random.randint(k1, (N,), 0, Z_MAX + 1, dtype=jnp.int32)
    charge = jax.random.randint(k2, (N,), 0, N_CHARGES, dtype=jnp.int32)
    energy_table = _build_table()
    return {"z": z, "charge": charge, "energy_table": energy_table}


def reference(z, charge, energy_table):
    # AtomicEnergiesBlock.forward: energies = energy_table[z, charge + charge_offset]
    charge_idx = charge + CHARGE_OFFSET
    energies = energy_table[z, charge_idx]
    return energies

if __name__ == "__main__":
    import jax
    _d = setup_inputs()
    print(jax.jit(kernel)(*tuple(_d.values())))

</pallas_src>

<mosaic_0001>
#map = affine_map<(d0, d1) -> (0)>
module attributes {stable_mosaic.version = 14 : i64} {
  func.func @_gather_kernel(%arg0: i32, %arg1: i32, %arg2: memref<1048576xi32, #tpu.memory_space<hbm>>, %arg3: memref<1048576xi32, #tpu.memory_space<hbm>>, %arg4: memref<864xf32, #tpu.memory_space<hbm>>, %arg5: memref<1048576xf32, #tpu.memory_space<hbm>>, %arg6: memref<32768xi32, #tpu.memory_space<vmem>>, %arg7: memref<32768xi32, #tpu.memory_space<vmem>>, %arg8: memref<32768xf32, #tpu.memory_space<vmem>>, %arg9: memref<864xf32, #tpu.memory_space<vmem>>, %arg10: memref<!tpu.dma_semaphore, #tpu.memory_space<semaphore_mem>>, %arg11: memref<!tpu.dma_semaphore, #tpu.memory_space<semaphore_mem>>, %arg12: memref<!tpu.dma_semaphore, #tpu.memory_space<semaphore_mem>>, %arg13: memref<!tpu.dma_semaphore, #tpu.memory_space<semaphore_mem>>, %arg14: memref<!tpu.dma_semaphore, #tpu.memory_space<semaphore_mem>>, %arg15: memref<!tpu.dma_semaphore, #tpu.memory_space<semaphore_mem>>, %arg16: memref<!tpu.dma_semaphore, #tpu.memory_space<semaphore_mem>>, %arg17: memref<!tpu.dma_semaphore, #tpu.memory_space<semaphore_mem>>, %arg18: memref<!tpu.dma_semaphore, #tpu.memory_space<semaphore_mem>>, %arg19: memref<!tpu.dma_semaphore, #tpu.memory_space<semaphore_mem>>, %arg20: memref<!tpu.dma_semaphore, #tpu.memory_space<semaphore_mem>>, %arg21: memref<!tpu.dma_semaphore, #tpu.memory_space<semaphore_mem>>, %arg22: memref<!tpu.dma_semaphore, #tpu.memory_space<semaphore_mem>>, %arg23: memref<!tpu.dma_semaphore, #tpu.memory_space<semaphore_mem>>, %arg24: memref<!tpu.dma_semaphore, #tpu.memory_space<semaphore_mem>>, %arg25: memref<!tpu.dma_semaphore, #tpu.memory_space<semaphore_mem>>, %arg26: memref<!tpu.dma_semaphore, #tpu.memory_space<semaphore_mem>>, %arg27: memref<!tpu.dma_semaphore, #tpu.memory_space<semaphore_mem>>, %arg28: memref<!tpu.dma_semaphore, #tpu.memory_space<semaphore_mem>>, %arg29: memref<!tpu.dma_semaphore, #tpu.memory_space<semaphore_mem>>, %arg30: memref<!tpu.dma_semaphore, #tpu.memory_space<semaphore_mem>>, %arg31: memref<!tpu.dma_semaphore, #tpu.memory_space<semaphore_mem>>, %arg32: memref<!tpu.dma_semaphore, #tpu.memory_space<semaphore_mem>>, %arg33: memref<!tpu.dma_semaphore, #tpu.memory_space<semaphore_mem>>, %arg34: memref<!tpu.dma_semaphore, #tpu.memory_space<semaphore_mem>>) attributes {dimension_semantics = [#tpu.dimension_semantics<core_parallel>, #tpu.dimension_semantics<subcore_parallel>], iteration_bounds = array<i64: 2, 16>, scalar_prefetch = 0 : i64, scratch_operands = 29 : i64, tpu.core_type = #tpu.core_type<sc_vector_subcore>, window_params = [{transform_indices = #map}, {transform_indices = #map}, {transform_indices = #map}, {transform_indices = #map}]} {
    %mul3A = arith.constant 2 : i32
    %mul3A_0 = arith.muli %arg1, %mul3A : i32
    %add3A = arith.addi %mul3A_0, %arg0 : i32
    %mul3A_1 = arith.constant 32768 : i32
    %mul3A_2 = arith.muli %add3A, %mul3A_1 : i32
    tpu.enqueue_dma source(%arg4 : memref<864xf32, #tpu.memory_space<hbm>>) target(%arg9 : memref<864xf32, #tpu.memory_space<vmem>>) target_semaphore(%arg34 : memref<!tpu.dma_semaphore, #tpu.memory_space<semaphore_mem>>)
    %add3A_3 = arith.constant 0 : i32
    %add3A_4 = arith.addi %mul3A_2, %add3A_3 : i32
    %dma_start3A = arith.constant 0 : i32
    %dma_start3A_5 = tpu.memref_slice %arg6[%dma_start3A] : memref<32768xi32, #tpu.memory_space<vmem>> -> memref<4096xi32, #tpu.memory_space<vmem>>
    %dma_start3A_6 = tpu.memref_slice %arg2[%add3A_4] : memref<1048576xi32, #tpu.memory_space<hbm>> -> memref<4096xi32, #tpu.memory_space<hbm>>
    %dma_start3A_7 = arith.constant 0 : i32
    %dma_start3A_8 = tpu.memref_slice %arg6[%dma_start3A_7] : memref<32768xi32, #tpu.memory_space<vmem>> -> memref<4096xi32, #tpu.memory_space<vmem>>
    %dma_start3A_9 = tpu.memref_slice %arg2[%add3A_4] : memref<1048576xi32, #tpu.memory_space<hbm>> -> memref<4096xi32, #tpu.memory_space<hbm>>
    tpu.enqueue_dma source(%dma_start3A_9 : memref<4096xi32, #tpu.memory_space<hbm>>) target(%dma_start3A_8 : memref<4096xi32, #tpu.memory_space<vmem>>) target_semaphore(%arg10 : memref<!tpu.dma_semaphore, #tpu.memory_space<semaphore_mem>>)
    %add3A_10 = arith.constant 0 : i32
    %add3A_11 = arith.addi %mul3A_2, %add3A_10 : i32
    %dma_start3A_12 = arith.constant 0 : i32
    %dma_start3A_13 = tpu.memref_slice %arg7[%dma_start3A_12] : memref<32768xi32, #tpu.memory_space<vmem>> -> memref<4096xi32, #tpu.memory_space<vmem>>
    %dma_start3A_14 = tpu.memref_slice %arg3[%add3A_11] : memref<1048576xi32, #tpu.memory_space<hbm>> -> memref<4096xi32, #tpu.memory_space<hbm>>
    %dma_start3A_15 = arith.constant 0 : i32
    %dma_start3A_16 = tpu.memref_slice %arg7[%dma_start3A_15] : memref<32768xi32, #tpu.memory_space<vmem>> -> memref<4096xi32, #tpu.memory_space<vmem>>
    %dma_start3A_17 = tpu.memref_slice %arg3[%add3A_11] : memref<1048576xi32, #tpu.memory_space<hbm>> -> memref<4096xi32, #tpu.memory_space<hbm>>
    tpu.enqueue_dma source(%dma_start3A_17 : memref<4096xi32, #tpu.memory_space<hbm>>) target(%dma_start3A_16 : memref<4096xi32, #tpu.memory_space<vmem>>) target_semaphore(%arg18 : memref<!tpu.dma_semaphore, #tpu.memory_space<semaphore_mem>>)
    %add3A_18 = arith.constant 4096 : i32
    %add3A_19 = arith.addi %mul3A_2, %add3A_18 : i32
    %dma_start3A_20 = arith.constant 4096 : i32
    %dma_start3A_21 = tpu.memref_slice %arg6[%dma_start3A_20] : memref<32768xi32, #tpu.memory_space<vmem>> -> memref<4096xi32, #tpu.memory_space<vmem>>
    %dma_start3A_22 = tpu.memref_slice %arg2[%add3A_19] : memref<1048576xi32, #tpu.memory_space<hbm>> -> memref<4096xi32, #tpu.memory_space<hbm>>
    %dma_start3A_23 = arith.constant 4096 : i32
    %dma_start3A_24 = tpu.memref_slice %arg6[%dma_start3A_23] : memref<32768xi32, #tpu.memory_space<vmem>> -> memref<4096xi32, #tpu.memory_space<vmem>>
    %dma_start3A_25 = tpu.memref_slice %arg2[%add3A_19] : memref<1048576xi32, #tpu.memory_space<hbm>> -> memref<4096xi32, #tpu.memory_space<hbm>>
    tpu.enqueue_dma source(%dma_start3A_25 : memref<4096xi32, #tpu.memory_space<hbm>>) target(%dma_start3A_24 : memref<4096xi32, #tpu.memory_space<vmem>>) target_semaphore(%arg11 : memref<!tpu.dma_semaphore, #tpu.memory_space<semaphore_mem>>)
    %add3A_26 = arith.constant 4096 : i32
    %add3A_27 = arith.addi %mul3A_2, %add3A_26 : i32
    %dma_start3A_28 = arith.constant 4096 : i32
    %dma_start3A_29 = tpu.memref_slice %arg7[%dma_start3A_28] : memref<32768xi32, #tpu.memory_space<vmem>> -> memref<4096xi32, #tpu.memory_space<vmem>>
    %dma_start3A_30 = tpu.memref_slice %arg3[%add3A_27] : memref<1048576xi32, #tpu.memory_space<hbm>> -> memref<4096xi32, #tpu.memory_space<hbm>>
    %dma_start3A_31 = arith.constant 4096 : i32
    %dma_start3A_32 = tpu.memref_slice %arg7[%dma_start3A_31] : memref<32768xi32, #tpu.memory_space<vmem>> -> memref<4096xi32, #tpu.memory_space<vmem>>
    %dma_start3A_33 = tpu.memref_slice %arg3[%add3A_27] : memref<1048576xi32, #tpu.memory_space<hbm>> -> memref<4096xi32, #tpu.memory_space<hbm>>
    tpu.enqueue_dma source(%dma_start3A_33 : memref<4096xi32, #tpu.memory_space<hbm>>) target(%dma_start3A_32 : memref<4096xi32, #tpu.memory_space<vmem>>) target_semaphore(%arg19 : memref<!tpu.dma_semaphore, #tpu.memory_space<semaphore_mem>>)
    %add3A_34 = arith.constant 8192 : i32
    %add3A_35 = arith.addi %mul3A_2, %add3A_34 : i32
    %dma_start3A_36 = arith.constant 8192 : i32
    %dma_start3A_37 = tpu.memref_slice %arg6[%dma_start3A_36] : memref<32768xi32, #tpu.memory_space<vmem>> -> memref<4096xi32, #tpu.memory_space<vmem>>
    %dma_start3A_38 = tpu.memref_slice %arg2[%add3A_35] : memref<1048576xi32, #tpu.memory_space<hbm>> -> memref<4096xi32, #tpu.memory_space<hbm>>
    %dma_start3A_39 = arith.constant 8192 : i32
    %dma_start3A_40 = tpu.memref_slice %arg6[%dma_start3A_39] : memref<32768xi32, #tpu.memory_space<vmem>> -> memref<4096xi32, #tpu.memory_space<vmem>>
    %dma_start3A_41 = tpu.memref_slice %arg2[%add3A_35] : memref<1048576xi32, #tpu.memory_space<hbm>> -> memref<4096xi32, #tpu.memory_space<hbm>>
    tpu.enqueue_dma source(%dma_start3A_41 : memref<4096xi32, #tpu.memory_space<hbm>>) target(%dma_start3A_40 : memref<4096xi32, #tpu.memory_space<vmem>>) target_semaphore(%arg12 : memref<!tpu.dma_semaphore, #tpu.memory_space<semaphore_mem>>)
    %add3A_42 = arith.constant 8192 : i32
    %add3A_43 = arith.addi %mul3A_2, %add3A_42 : i32
    %dma_start3A_44 = arith.constant 8192 : i32
    %dma_start3A_45 = tpu.memref_slice %arg7[%dma_start3A_44] : memref<32768xi32, #tpu.memory_space<vmem>> -> memref<4096xi32, #tpu.memory_space<vmem>>
    %dma_start3A_46 = tpu.memref_slice %arg3[%add3A_43] : memref<1048576xi32, #tpu.memory_space<hbm>> -> memref<4096xi32, #tpu.memory_space<hbm>>
    %dma_start3A_47 = arith.constant 8192 : i32
    %dma_start3A_48 = tpu.memref_slice %arg7[%dma_start3A_47] : memref<32768xi32, #tpu.memory_space<vmem>> -> memref<4096xi32, #tpu.memory_space<vmem>>
    %dma_start3A_49 = tpu.memref_slice %arg3[%add3A_43] : memref<1048576xi32, #tpu.memory_space<hbm>> -> memref<4096xi32, #tpu.memory_space<hbm>>
    tpu.enqueue_dma source(%dma_start3A_49 : memref<4096xi32, #tpu.memory_space<hbm>>) target(%dma_start3A_48 : memref<4096xi32, #tpu.memory_space<vmem>>) target_semaphore(%arg20 : memref<!tpu.dma_semaphore, #tpu.memory_space<semaphore_mem>>)
    %add3A_50 = arith.constant 12288 : i32
    %add3A_51 = arith.addi %mul3A_2, %add3A_50 : i32
    %dma_start3A_52 = arith.constant 12288 : i32
    %dma_start3A_53 = tpu.memref_slice %arg6[%dma_start3A_52] : memref<32768xi32, #tpu.memory_space<vmem>> -> memref<4096xi32, #tpu.memory_space<vmem>>
    %dma_start3A_54 = tpu.memref_slice %arg2[%add3A_51] : memref<1048576xi32, #tpu.memory_space<hbm>> -> memref<4096xi32, #tpu.memory_space<hbm>>
    %dma_start3A_55 = arith.constant 12288 : i32
    %dma_start3A_56 = tpu.memref_slice %arg6[%dma_start3A_55] : memref<32768xi32, #tpu.memory_space<vmem>> -> memref<4096xi32, #tpu.memory_space<vmem>>
    %dma_start3A_57 = tpu.memref_slice %arg2[%add3A_51] : memref<1048576xi32, #tpu.memory_space<hbm>> -> memref<4096xi32, #tpu.memory_space<hbm>>
    tpu.enqueue_dma source(%dma_start3A_57 : memref<4096xi32, #tpu.memory_space<hbm>>) target(%dma_start3A_56 : memref<4096xi32, #tpu.memory_space<vmem>>) target_semaphore(%arg13 : memref<!tpu.dma_semaphore, #tpu.memory_space<semaphore_mem>>)
    %add3A_58 = arith.constant 12288 : i32
    %add3A_59 = arith.addi %mul3A_2, %add3A_58 : i32
    %dma_start3A_60 = arith.constant 12288 : i32
    %dma_start3A_61 = tpu.memref_slice %arg7[%dma_start3A_60] : memref<32768xi32, #tpu.memory_space<vmem>> -> memref<4096xi32, #tpu.memory_space<vmem>>
    %dma_start3A_62 = tpu.memref_slice %arg3[%add3A_59] : memref<1048576xi32, #tpu.memory_space<hbm>> -> memref<4096xi32, #tpu.memory_space<hbm>>
    %dma_start3A_63 = arith.constant 12288 : i32
    %dma_start3A_64 = tpu.memref_slice %arg7[%dma_start3A_63] : memref<32768xi32, #tpu.memory_space<vmem>> -> memref<4096xi32, #tpu.memory_space<vmem>>
    %dma_start3A_65 = tpu.memref_slice %arg3[%add3A_59] : memref<1048576xi32, #tpu.memory_space<hbm>> -> memref<4096xi32, #tpu.memory_space<hbm>>
    tpu.enqueue_dma source(%dma_start3A_65 : memref<4096xi32, #tpu.memory_space<hbm>>) target(%dma_start3A_64 : memref<4096xi32, #tpu.memory_space<vmem>>) target_semaphore(%arg21 : memref<!tpu.dma_semaphore, #tpu.memory_space<semaphore_mem>>)
    %add3A_66 = arith.constant 16384 : i32
    %add3A_67 = arith.addi %mul3A_2, %add3A_66 : i32
    %dma_start3A_68 = arith.constant 16384 : i32
    %dma_start3A_69 = tpu.memref_slice %arg6[%dma_start3A_68] : memref<32768xi32, #tpu.memory_space<vmem>> -> memref<4096xi32, #tpu.memory_space<vmem>>
    %dma_start3A_70 = tpu.memref_slice %arg2[%add3A_67] : memref<1048576xi32, #tpu.memory_space<hbm>> -> memref<4096xi32, #tpu.memory_space<hbm>>
    %dma_start3A_71 = arith.constant 16384 : i32
    %dma_start3A_72 = tpu.memref_slice %arg6[%dma_start3A_71] : memref<32768xi32, #tpu.memory_space<vmem>> -> memref<4096xi32, #tpu.memory_space<vmem>>
    %dma_start3A_73 = tpu.memref_slice %arg2[%add3A_67] : memref<1048576xi32, #tpu.memory_space<hbm>> -> memref<4096xi32, #tpu.memory_space<hbm>>
    tpu.enqueue_dma source(%dma_start3A_73 : memref<4096xi32, #tpu.memory_space<hbm>>) target(%dma_start3A_72 : memref<4096xi32, #tpu.memory_space<vmem>>) target_semaphore(%arg14 : memref<!tpu.dma_semaphore, #tpu.memory_space<semaphore_mem>>)
    %add3A_74 = arith.constant 16384 : i32
    %add3A_75 = arith.addi %mul3A_2, %add3A_74 : i32
    %dma_start3A_76 = arith.constant 16384 : i32
    %dma_start3A_77 = tpu.memref_slice %arg7[%dma_start3A_76] : memref<32768xi32, #tpu.memory_space<vmem>> -> memref<4096xi32, #tpu.memory_space<vmem>>
    %dma_start3A_78 = tpu.memref_slice %arg3[%add3A_75] : memref<1048576xi32, #tpu.memory_space<hbm>> -> memref<4096xi32, #tpu.memory_space<hbm>>
    %dma_start3A_79 = arith.constant 16384 : i32
    %dma_start3A_80 = tpu.memref_slice %arg7[%dma_start3A_79] : memref<32768xi32, #tpu.memory_space<vmem>> -> memref<4096xi32, #tpu.memory_space<vmem>>
    %dma_start3A_81 = tpu.memref_slice %arg3[%add3A_75] : memref<1048576xi32, #tpu.memory_space<hbm>> -> memref<4096xi32, #tpu.memory_space<hbm>>
    tpu.enqueue_dma source(%dma_start3A_81 : memref<4096xi32, #tpu.memory_space<hbm>>) target(%dma_start3A_80 : memref<4096xi32, #tpu.memory_space<vmem>>) target_semaphore(%arg22 : memref<!tpu.dma_semaphore, #tpu.memory_space<semaphore_mem>>)
    %add3A_82 = arith.constant 20480 : i32
    %add3A_83 = arith.addi %mul3A_2, %add3A_82 : i32
    %dma_start3A_84 = arith.constant 20480 : i32
    %dma_start3A_85 = tpu.memref_slice %arg6[%dma_start3A_84] : memref<32768xi32, #tpu.memory_space<vmem>> -> memref<4096xi32, #tpu.memory_space<vmem>>
    %dma_start3A_86 = tpu.memref_slice %arg2[%add3A_83] : memref<1048576xi32, #tpu.memory_space<hbm>> -> memref<4096xi32, #tpu.memory_space<hbm>>
    %dma_start3A_87 = arith.constant 20480 : i32
    %dma_start3A_88 = tpu.memref_slice %arg6[%dma_start3A_87] : memref<32768xi32, #tpu.memory_space<vmem>> -> memref<4096xi32, #tpu.memory_space<vmem>>
    %dma_start3A_89 = tpu.memref_slice %arg2[%add3A_83] : memref<1048576xi32, #tpu.memory_space<hbm>> -> memref<4096xi32, #tpu.memory_space<hbm>>
    tpu.enqueue_dma source(%dma_start3A_89 : memref<4096xi32, #tpu.memory_space<hbm>>) target(%dma_start3A_88 : memref<4096xi32, #tpu.memory_space<vmem>>) target_semaphore(%arg15 : memref<!tpu.dma_semaphore, #tpu.memory_space<semaphore_mem>>)
    %add3A_90 = arith.constant 20480 : i32
    %add3A_91 = arith.addi %mul3A_2, %add3A_90 : i32
    %dma_start3A_92 = arith.constant 20480 : i32
    %dma_start3A_93 = tpu.memref_slice %arg7[%dma_start3A_92] : memref<32768xi32, #tpu.memory_space<vmem>> -> memref<4096xi32, #tpu.memory_space<vmem>>
    %dma_start3A_94 = tpu.memref_slice %arg3[%add3A_91] : memref<1048576xi32, #tpu.memory_space<hbm>> -> memref<4096xi32, #tpu.memory_space<hbm>>
    %dma_start3A_95 = arith.constant 20480 : i32
    %dma_start3A_96 = tpu.memref_slice %arg7[%dma_start3A_95] : memref<32768xi32, #tpu.memory_space<vmem>> -> memref<4096xi32, #tpu.memory_space<vmem>>
    %dma_start3A_97 = tpu.memref_slice %arg3[%add3A_91] : memref<1048576xi32, #tpu.memory_space<hbm>> -> memref<4096xi32, #tpu.memory_space<hbm>>
    tpu.enqueue_dma source(%dma_start3A_97 : memref<4096xi32, #tpu.memory_space<hbm>>) target(%dma_start3A_96 : memref<4096xi32, #tpu.memory_space<vmem>>) target_semaphore(%arg23 : memref<!tpu.dma_semaphore, #tpu.memory_space<semaphore_mem>>)
    %add3A_98 = arith.constant 24576 : i32
    %add3A_99 = arith.addi %mul3A_2, %add3A_98 : i32
    %dma_start3A_100 = arith.constant 24576 : i32
    %dma_start3A_101 = tpu.memref_slice %arg6[%dma_start3A_100] : memref<32768xi32, #tpu.memory_space<vmem>> -> memref<4096xi32, #tpu.memory_space<vmem>>
    %dma_start3A_102 = tpu.memref_slice %arg2[%add3A_99] : memref<1048576xi32, #tpu.memory_space<hbm>> -> memref<4096xi32, #tpu.memory_space<hbm>>
    %dma_start3A_103 = arith.constant 24576 : i32
    %dma_start3A_104 = tpu.memref_slice %arg6[%dma_start3A_103] : memref<32768xi32, #tpu.memory_space<vmem>> -> memref<4096xi32, #tpu.memory_space<vmem>>
    %dma_start3A_105 = tpu.memref_slice %arg2[%add3A_99] : memref<1048576xi32, #tpu.memory_space<hbm>> -> memref<4096xi32, #tpu.memory_space<hbm>>
    tpu.enqueue_dma source(%dma_start3A_105 : memref<4096xi32, #tpu.memory_space<hbm>>) target(%dma_start3A_104 : memref<4096xi32, #tpu.memory_space<vmem>>) target_semaphore(%arg16 : memref<!tpu.dma_semaphore, #tpu.memory_space<semaphore_mem>>)
    %add3A_106 = arith.constant 24576 : i32
    %add3A_107 = arith.addi %mul3A_2, %add3A_106 : i32
    %dma_start3A_108 = arith.constant 24576 : i32
    %dma_start3A_109 = tpu.memref_slice %arg7[%dma_start3A_108] : memref<32768xi32, #tpu.memory_space<vmem>> -> memref<4096xi32, #tpu.memory_space<vmem>>
    %dma_start3A_110 = tpu.memref_slice %arg3[%add3A_107] : memref<1048576xi32, #tpu.memory_space<hbm>> -> memref<4096xi32, #tpu.memory_space<hbm>>
    %dma_start3A_111 = arith.constant 24576 : i32
    %dma_start3A_112 = tpu.memref_slice %arg7[%dma_start3A_111] : memref<32768xi32, #tpu.memory_space<vmem>> -> memref<4096xi32, #tpu.memory_space<vmem>>
    %dma_start3A_113 = tpu.memref_slice %arg3[%add3A_107] : memref<1048576xi32, #tpu.memory_space<hbm>> -> memref<4096xi32, #tpu.memory_space<hbm>>
    tpu.enqueue_dma source(%dma_start3A_113 : memref<4096xi32, #tpu.memory_space<hbm>>) target(%dma_start3A_112 : memref<4096xi32, #tpu.memory_space<vmem>>) target_semaphore(%arg24 : memref<!tpu.dma_semaphore, #tpu.memory_space<semaphore_mem>>)
    %add3A_114 = arith.constant 28672 : i32
    %add3A_115 = arith.addi %mul3A_2, %add3A_114 : i32
    %dma_start3A_116 = arith.constant 28672 : i32
    %dma_start3A_117 = tpu.memref_slice %arg6[%dma_start3A_116] : memref<32768xi32, #tpu.memory_space<vmem>> -> memref<4096xi32, #tpu.memory_space<vmem>>
    %dma_start3A_118 = tpu.memref_slice %arg2[%add3A_115] : memref<1048576xi32, #tpu.memory_space<hbm>> -> memref<4096xi32, #tpu.memory_space<hbm>>
    %dma_start3A_119 = arith.constant 28672 : i32
    %dma_start3A_120 = tpu.memref_slice %arg6[%dma_start3A_119] : memref<32768xi32, #tpu.memory_space<vmem>> -> memref<4096xi32, #tpu.memory_space<vmem>>
    %dma_start3A_121 = tpu.memref_slice %arg2[%add3A_115] : memref<1048576xi32, #tpu.memory_space<hbm>> -> memref<4096xi32, #tpu.memory_space<hbm>>
    tpu.enqueue_dma source(%dma_start3A_121 : memref<4096xi32, #tpu.memory_space<hbm>>) target(%dma_start3A_120 : memref<4096xi32, #tpu.memory_space<vmem>>) target_semaphore(%arg17 : memref<!tpu.dma_semaphore, #tpu.memory_space<semaphore_mem>>)
    %add3A_122 = arith.constant 28672 : i32
    %add3A_123 = arith.addi %mul3A_2, %add3A_122 : i32
    %dma_start3A_124 = arith.constant 28672 : i32
    %dma_start3A_125 = tpu.memref_slice %arg7[%dma_start3A_124] : memref<32768xi32, #tpu.memory_space<vmem>> -> memref<4096xi32, #tpu.memory_space<vmem>>
    %dma_start3A_126 = tpu.memref_slice %arg3[%add3A_123] : memref<1048576xi32, #tpu.memory_space<hbm>> -> memref<4096xi32, #tpu.memory_space<hbm>>
    %dma_start3A_127 = arith.constant 28672 : i32
    %dma_start3A_128 = tpu.memref_slice %arg7[%dma_start3A_127] : memref<32768xi32, #tpu.memory_space<vmem>> -> memref<4096xi32, #tpu.memory_space<vmem>>
    %dma_start3A_129 = tpu.memref_slice %arg3[%add3A_123] : memref<1048576xi32, #tpu.memory_space<hbm>> -> memref<4096xi32, #tpu.memory_space<hbm>>
    tpu.enqueue_dma source(%dma_start3A_129 : memref<4096xi32, #tpu.memory_space<hbm>>) target(%dma_start3A_128 : memref<4096xi32, #tpu.memory_space<vmem>>) target_semaphore(%arg25 : memref<!tpu.dma_semaphore, #tpu.memory_space<semaphore_mem>>)
    tpu.wait_dma2 semaphore(%arg34 : memref<!tpu.dma_semaphore, #tpu.memory_space<semaphore_mem>>) src(%arg4 : memref<864xf32, #tpu.memory_space<hbm>>) dst(%arg9 : memref<864xf32, #tpu.memory_space<vmem>>)
    %iota3A = tpu.iota {dimensions = array<i32: 0>} : vector<16xi32>
    %dma_wait3A = arith.constant 0 : i32
    %dma_wait3A_130 = tpu.memref_slice %arg6[%dma_wait3A] : memref<32768xi32, #tpu.memory_space<vmem>> -> memref<4096xi32, #tpu.memory_space<vmem>>
    %dma_wait3A_131 = tpu.memref_slice %arg2[%add3A_4] : memref<1048576xi32, #tpu.memory_space<hbm>> -> memref<4096xi32, #tpu.memory_space<hbm>>
    %dma_wait3A_132 = arith.constant 0 : i32
    %dma_wait3A_133 = tpu.memref_slice %arg6[%dma_wait3A_132] : memref<32768xi32, #tpu.memory_space<vmem>> -> memref<4096xi32, #tpu.memory_space<vmem>>
    %dma_wait3A_134 = tpu.memref_slice %arg2[%add3A_4] : memref<1048576xi32, #tpu.memory_space<hbm>> -> memref<4096xi32, #tpu.memory_space<hbm>>
    tpu.wait_dma2 semaphore(%arg10 : memref<!tpu.dma_semaphore, #tpu.memory_space<semaphore_mem>>) src(%dma_wait3A_134 : memref<4096xi32, #tpu.memory_space<hbm>>) dst(%dma_wait3A_133 : memref<4096xi32, #tpu.memory_space<vmem>>)
    %dma_wait3A_135 = arith.constant 0 : i32
    %dma_wait3A_136 = tpu.memref_slice %arg7[%dma_wait3A_135] : memref<32768xi32, #tpu.memory_space<vmem>> -> memref<4096xi32, #tpu.memory_space<vmem>>
    %dma_wait3A_137 = tpu.memref_slice %arg3[%add3A_11] : memref<1048576xi32, #tpu.memory_space<hbm>> -> memref<4096xi32, #tpu.memory_space<hbm>>
    %dma_wait3A_138 = arith.constant 0 : i32
    %dma_wait3A_139 = tpu.memref_slice %arg7[%dma_wait3A_138] : memref<32768xi32, #tpu.memory_space<vmem>> -> memref<4096xi32, #tpu.memory_space<vmem>>
    %dma_wait3A_140 = tpu.memref_slice %arg3[%add3A_11] : memref<1048576xi32, #tpu.memory_space<hbm>> -> memref<4096xi32, #tpu.memory_space<hbm>>
    tpu.wait_dma2 semaphore(%arg18 : memref<!tpu.dma_semaphore, #tpu.memory_space<semaphore_mem>>) src(%dma_wait3A_140 : memref<4096xi32, #tpu.memory_space<hbm>>) dst(%dma_wait3A_139 : memref<4096xi32, #tpu.memory_space<vmem>>)
    %parallel_loop3A = arith.constant 0 : i32
    %parallel_loop3A_141 = arith.constant 4096 : i32
    %parallel_loop3A_142 = arith.constant 16 : i32
    scf.for %parallel_loop3A_360 = %parallel_loop3A to %parallel_loop3A_141 step %parallel_loop3A_142  : i32 {
      %parallel_loop3A_361 = arith.index_cast %parallel_loop3A_360 : i32 to index
      %parallel_loop3A_362 = tpu.vector_load %arg6[%parallel_loop3A_361] {strides = array<i32>} : memref<32768xi32, #tpu.memory_space<vmem>>, vector<16xi32>,
      %parallel_loop3A_363 = arith.constant 3 : i32
      %parallel_loop3A_364 = vector.broadcast %parallel_loop3A_363 : i32 to vector<16xi32>
      %parallel_loop3A_365 = arith.muli %parallel_loop3A_362, %parallel_loop3A_364 : vector<16xi32>
      %parallel_loop3A_366 = arith.index_cast %parallel_loop3A_360 : i32 to index
      %parallel_loop3A_367 = tpu.vector_load %arg7[%parallel_loop3A_366] {strides = array<i32>} : memref<32768xi32, #tpu.memory_space<vmem>>, vector<16xi32>,
      %parallel_loop3A_368 = arith.addi %parallel_loop3A_365, %parallel_loop3A_367 : vector<16xi32>
      %parallel_loop3A_369 = arith.constant 16 : i32
      %parallel_loop3A_370 = vector.broadcast %parallel_loop3A_369 : i32 to vector<16xi32>
      %parallel_loop3A_371 = arith.muli %parallel_loop3A_368, %parallel_loop3A_370 : vector<16xi32>
      %parallel_loop3A_372 = arith.addi %parallel_loop3A_371, %iota3A : vector<16xi32>
      %parallel_loop3A_373 = tpu.vector_load_idx %arg9[%parallel_loop3A_372] : memref<864xf32, #tpu.memory_space<vmem>>[vector<16xi32>], vector<16xf32>,
      %parallel_loop3A_374 = arith.index_cast %parallel_loop3A_360 : i32 to index
      %parallel_loop3A_375 = tpu.vector_load %arg8[%parallel_loop3A_374] {strides = array<i32>} : memref<32768xf32, #tpu.memory_space<vmem>>, vector<16xf32>,
      tpu.vector_store %arg8[%parallel_loop3A_374], %parallel_loop3A_373 {strides = array<i32>} : memref<32768xf32, #tpu.memory_space<vmem>>, vector<16xf32>,
    } {sc.loop_unroll_factor = 8 : i64, sc.parallel_access}
    %add3A_143 = arith.constant 0 : i32
    %add3A_144 = arith.addi %mul3A_2, %add3A_143 : i32
    %dma_start3A_145 = arith.constant 0 : i32
    %dma_start3A_146 = tpu.memref_slice %arg8[%dma_start3A_145] : memref<32768xf32, #tpu.memory_space<vmem>> -> memref<4096xf32, #tpu.memory_space<vmem>>
    %dma_start3A_147 = tpu.memref_slice %arg5[%add3A_144] : memref<1048576xf32, #tpu.memory_space<hbm>> -> memref<4096xf32, #tpu.memory_space<hbm>>
    %dma_start3A_148 = tpu.memref_slice %arg5[%add3A_144] : memref<1048576xf32, #tpu.memory_space<hbm>> -> memref<4096xf32, #tpu.memory_space<hbm>>
    %dma_start3A_149 = arith.constant 0 : i32
    %dma_start3A_150 = tpu.memref_slice %arg8[%dma_start3A_149] : memref<32768xf32, #tpu.memory_space<vmem>> -> memref<4096xf32, #tpu.memory_space<vmem>>
    tpu.enqueue_dma source(%dma_start3A_150 : memref<4096xf32, #tpu.memory_space<vmem>>) target(%dma_start3A_148 : memref<4096xf32, #tpu.memory_space<hbm>>) target_semaphore(%arg26 : memref<!tpu.dma_semaphore, #tpu.memory_space<semaphore_mem>>)
    %dma_wait3A_151 = arith.constant 4096 : i32
    %dma_wait3A_152 = tpu.memref_slice %arg6[%dma_wait3A_151] : memref<32768xi32, #tpu.memory_space<vmem>> -> memref<4096xi32, #tpu.memory_space<vmem>>
    %dma_wait3A_153 = tpu.memref_slice %arg2[%add3A_19] : memref<1048576xi32, #tpu.memory_space<hbm>> -> memref<4096xi32, #tpu.memory_space<hbm>>
    %dma_wait3A_154 = arith.constant 4096 : i32
    %dma_wait3A_155 = tpu.memref_slice %arg6[%dma_wait3A_154] : memref<32768xi32, #tpu.memory_space<vmem>> -> memref<4096xi32, #tpu.memory_space<vmem>>
    %dma_wait3A_156 = tpu.memref_slice %arg2[%add3A_19] : memref<1048576xi32, #tpu.memory_space<hbm>> -> memref<4096xi32, #tpu.memory_space<hbm>>
    tpu.wait_dma2 semaphore(%arg11 : memref<!tpu.dma_semaphore, #tpu.memory_space<semaphore_mem>>) src(%dma_wait3A_156 : memref<4096xi32, #tpu.memory_space<hbm>>) dst(%dma_wait3A_155 : memref<4096xi32, #tpu.memory_space<vmem>>)
    %dma_wait3A_157 = arith.constant 4096 : i32
    %dma_wait3A_158 = tpu.memref_slice %arg7[%dma_wait3A_157] : memref<32768xi32, #tpu.memory_space<vmem>> -> memref<4096xi32, #tpu.memory_space<vmem>>
    %dma_wait3A_159 = tpu.memref_slice %arg3[%add3A_27] : memref<1048576xi32, #tpu.memory_space<hbm>> -> memref<4096xi32, #tpu.memory_space<hbm>>
    %dma_wait3A_160 = arith.constant 4096 : i32
    %dma_wait3A_161 = tpu.memref_slice %arg7[%dma_wait3A_160] : memref<32768xi32, #tpu.memory_space<vmem>> -> memref<4096xi32, #tpu.memory_space<vmem>>
    %dma_wait3A_162 = tpu.memref_slice %arg3[%add3A_27] : memref<1048576xi32, #tpu.memory_space<hbm>> -> memref<4096xi32, #tpu.memory_space<hbm>>
    tpu.wait_dma2 semaphore(%arg19 : memref<!tpu.dma_semaphore, #tpu.memory_space<semaphore_mem>>) src(%dma_wait3A_162 : memref<4096xi32, #tpu.memory_space<hbm>>) dst(%dma_wait3A_161 : memref<4096xi32, #tpu.memory_space<vmem>>)
    %parallel_loop3A_163 = arith.constant 4096 : i32
    %parallel_loop3A_164 = arith.constant 8192 : i32
    %parallel_loop3A_165 = arith.constant 16 : i32
    scf.for %parallel_loop3A_360 = %parallel_loop3A_163 to %parallel_loop3A_164 step %parallel_loop3A_165  : i32 {
      %parallel_loop3A_361 = arith.index_cast %parallel_loop3A_360 : i32 to index
      %parallel_loop3A_362 = tpu.vector_load %arg6[%parallel_loop3A_361] {strides = array<i32>} : memref<32768xi32, #tpu.memory_space<vmem>>, vector<16xi32>,
      %parallel_loop3A_363 = arith.constant 3 : i32
      %parallel_loop3A_364 = vector.broadcast %parallel_loop3A_363 : i32 to vector<16xi32>
      %parallel_loop3A_365 = arith.muli %parallel_loop3A_362, %parallel_loop3A_364 : vector<16xi32>
      %parallel_loop3A_366 = arith.index_cast %parallel_loop3A_360 : i32 to index
      %parallel_loop3A_367 = tpu.vector_load %arg7[%parallel_loop3A_366] {strides = array<i32>} : memref<32768xi32, #tpu.memory_space<vmem>>, vector<16xi32>,
      %parallel_loop3A_368 = arith.addi %parallel_loop3A_365, %parallel_loop3A_367 : vector<16xi32>
      %parallel_loop3A_369 = arith.constant 16 : i32
      %parallel_loop3A_370 = vector.broadcast %parallel_loop3A_369 : i32 to vector<16xi32>
      %parallel_loop3A_371 = arith.muli %parallel_loop3A_368, %parallel_loop3A_370 : vector<16xi32>
      %parallel_loop3A_372 = arith.addi %parallel_loop3A_371, %iota3A : vector<16xi32>
      %parallel_loop3A_373 = tpu.vector_load_idx %arg9[%parallel_loop3A_372] : memref<864xf32, #tpu.memory_space<vmem>>[vector<16xi32>], vector<16xf32>,
      %parallel_loop3A_374 = arith.index_cast %parallel_loop3A_360 : i32 to index
      %parallel_loop3A_375 = tpu.vector_load %arg8[%parallel_loop3A_374] {strides = array<i32>} : memref<32768xf32, #tpu.memory_space<vmem>>, vector<16xf32>,
      tpu.vector_store %arg8[%parallel_loop3A_374], %parallel_loop3A_373 {strides = array<i32>} : memref<32768xf32, #tpu.memory_space<vmem>>, vector<16xf32>,
    } {sc.loop_unroll_factor = 8 : i64, sc.parallel_access}
    %add3A_166 = arith.constant 4096 : i32
    %add3A_167 = arith.addi %mul3A_2, %add3A_166 : i32
    %dma_start3A_168 = arith.constant 4096 : i32
    %dma_start3A_169 = tpu.memref_slice %arg8[%dma_start3A_168] : memref<32768xf32, #tpu.memory_space<vmem>> -> memref<4096xf32, #tpu.memory_space<vmem>>
    %dma_start3A_170 = tpu.memref_slice %arg5[%add3A_167] : memref<1048576xf32, #tpu.memory_space<hbm>> -> memref<4096xf32, #tpu.memory_space<hbm>>
    %dma_start3A_171 = tpu.memref_slice %arg5[%add3A_167] : memref<1048576xf32, #tpu.memory_space<hbm>> -> memref<4096xf32, #tpu.memory_space<hbm>>
    %dma_start3A_172 = arith.constant 4096 : i32
    %dma_start3A_173 = tpu.memref_slice %arg8[%dma_start3A_172] : memref<32768xf32, #tpu.memory_space<vmem>> -> memref<4096xf32, #tpu.memory_space<vmem>>
    tpu.enqueue_dma source(%dma_start3A_173 : memref<4096xf32, #tpu.memory_space<vmem>>) target(%dma_start3A_171 : memref<4096xf32, #tpu.memory_space<hbm>>) target_semaphore(%arg27 : memref<!tpu.dma_semaphore, #tpu.memory_space<semaphore_mem>>)
    %dma_wait3A_174 = arith.constant 8192 : i32
    %dma_wait3A_175 = tpu.memref_slice %arg6[%dma_wait3A_174] : memref<32768xi32, #tpu.memory_space<vmem>> -> memref<4096xi32, #tpu.memory_space<vmem>>
    %dma_wait3A_176 = tpu.memref_slice %arg2[%add3A_35] : memref<1048576xi32, #tpu.memory_space<hbm>> -> memref<4096xi32, #tpu.memory_space<hbm>>
    %dma_wait3A_177 = arith.constant 8192 : i32
    %dma_wait3A_178 = tpu.memref_slice %arg6[%dma_wait3A_177] : memref<32768xi32, #tpu.memory_space<vmem>> -> memref<4096xi32, #tpu.memory_space<vmem>>
    %dma_wait3A_179 = tpu.memref_slice %arg2[%add3A_35] : memref<1048576xi32, #tpu.memory_space<hbm>> -> memref<4096xi32, #tpu.memory_space<hbm>>
    tpu.wait_dma2 semaphore(%arg12 : memref<!tpu.dma_semaphore, #tpu.memory_space<semaphore_mem>>) src(%dma_wait3A_179 : memref<4096xi32, #tpu.memory_space<hbm>>) dst(%dma_wait3A_178 : memref<4096xi32, #tpu.memory_space<vmem>>)
    %dma_wait3A_180 = arith.constant 8192 : i32
    %dma_wait3A_181 = tpu.memref_slice %arg7[%dma_wait3A_180] : memref<32768xi32, #tpu.memory_space<vmem>> -> memref<4096xi32, #tpu.memory_space<vmem>>
    %dma_wait3A_182 = tpu.memref_slice %arg3[%add3A_43] : memref<1048576xi32, #tpu.memory_space<hbm>> -> memref<4096xi32, #tpu.memory_space<hbm>>
    %dma_wait3A_183 = arith.constant 8192 : i32
    %dma_wait3A_184 = tpu.memref_slice %arg7[%dma_wait3A_183] : memref<32768xi32, #tpu.memory_space<vmem>> -> memref<4096xi32, #tpu.memory_space<vmem>>
    %dma_wait3A_185 = tpu.memref_slice %arg3[%add3A_43] : memref<1048576xi32, #tpu.memory_space<hbm>> -> memref<4096xi32, #tpu.memory_space<hbm>>
    tpu.wait_dma2 semaphore(%arg20 : memref<!tpu.dma_semaphore, #tpu.memory_space<semaphore_mem>>) src(%dma_wait3A_185 : memref<4096xi32, #tpu.memory_space<hbm>>) dst(%dma_wait3A_184 : memref<4096xi32, #tpu.memory_space<vmem>>)
    %parallel_loop3A_186 = arith.constant 8192 : i32
    %parallel_loop3A_187 = arith.constant 12288 : i32
    %parallel_loop3A_188 = arith.constant 16 : i32
    scf.for %parallel_loop3A_360 = %parallel_loop3A_186 to %parallel_loop3A_187 step %parallel_loop3A_188  : i32 {
      %parallel_loop3A_361 = arith.index_cast %parallel_loop3A_360 : i32 to index
      %parallel_loop3A_362 = tpu.vector_load %arg6[%parallel_loop3A_361] {strides = array<i32>} : memref<32768xi32, #tpu.memory_space<vmem>>, vector<16xi32>,
      %parallel_loop3A_363 = arith.constant 3 : i32
      %parallel_loop3A_364 = vector.broadcast %parallel_loop3A_363 : i32 to vector<16xi32>
      %parallel_loop3A_365 = arith.muli %parallel_loop3A_362, %parallel_loop3A_364 : vector<16xi32>
      %parallel_loop3A_366 = arith.index_cast %parallel_loop3A_360 : i32 to index
      %parallel_loop3A_367 = tpu.vector_load %arg7[%parallel_loop3A_366] {strides = array<i32>} : memref<32768xi32, #tpu.memory_space<vmem>>, vector<16xi32>,
      %parallel_loop3A_368 = arith.addi %parallel_loop3A_365, %parallel_loop3A_367 : vector<16xi32>
      %parallel_loop3A_369 = arith.constant 16 : i32
      %parallel_loop3A_370 = vector.broadcast %parallel_loop3A_369 : i32 to vector<16xi32>
      %parallel_loop3A_371 = arith.muli %parallel_loop3A_368, %parallel_loop3A_370 : vector<16xi32>
      %parallel_loop3A_372 = arith.addi %parallel_loop3A_371, %iota3A : vector<16xi32>
      %parallel_loop3A_373 = tpu.vector_load_idx %arg9[%parallel_loop3A_372] : memref<864xf32, #tpu.memory_space<vmem>>[vector<16xi32>], vector<16xf32>,
      %parallel_loop3A_374 = arith.index_cast %parallel_loop3A_360 : i32 to index
      %parallel_loop3A_375 = tpu.vector_load %arg8[%parallel_loop3A_374] {strides = array<i32>} : memref<32768xf32, #tpu.memory_space<vmem>>, vector<16xf32>,
      tpu.vector_store %arg8[%parallel_loop3A_374], %parallel_loop3A_373 {strides = array<i32>} : memref<32768xf32, #tpu.memory_space<vmem>>, vector<16xf32>,
    } {sc.loop_unroll_factor = 8 : i64, sc.parallel_access}
    %add3A_189 = arith.constant 8192 : i32
    %add3A_190 = arith.addi %mul3A_2, %add3A_189 : i32
    %dma_start3A_191 = arith.constant 8192 : i32
    %dma_start3A_192 = tpu.memref_slice %arg8[%dma_start3A_191] : memref<32768xf32, #tpu.memory_space<vmem>> -> memref<4096xf32, #tpu.memory_space<vmem>>
    %dma_start3A_193 = tpu.memref_slice %arg5[%add3A_190] : memref<1048576xf32, #tpu.memory_space<hbm>> -> memref<4096xf32, #tpu.memory_space<hbm>>
    %dma_start3A_194 = tpu.memref_slice %arg5[%add3A_190] : memref<1048576xf32, #tpu.memory_space<hbm>> -> memref<4096xf32, #tpu.memory_space<hbm>>
    %dma_start3A_195 = arith.constant 8192 : i32
    %dma_start3A_196 = tpu.memref_slice %arg8[%dma_start3A_195] : memref<32768xf32, #tpu.memory_space<vmem>> -> memref<4096xf32, #tpu.memory_space<vmem>>
    tpu.enqueue_dma source(%dma_start3A_196 : memref<4096xf32, #tpu.memory_space<vmem>>) target(%dma_start3A_194 : memref<4096xf32, #tpu.memory_space<hbm>>) target_semaphore(%arg28 : memref<!tpu.dma_semaphore, #tpu.memory_space<semaphore_mem>>)
    %dma_wait3A_197 = arith.constant 12288 : i32
    %dma_wait3A_198 = tpu.memref_slice %arg6[%dma_wait3A_197] : memref<32768xi32, #tpu.memory_space<vmem>> -> memref<4096xi32, #tpu.memory_space<vmem>>
    %dma_wait3A_199 = tpu.memref_slice %arg2[%add3A_51] : memref<1048576xi32, #tpu.memory_space<hbm>> -> memref<4096xi32, #tpu.memory_space<hbm>>
    %dma_wait3A_200 = arith.constant 12288 : i32
    %dma_wait3A_201 = tpu.memref_slice %arg6[%dma_wait3A_200] : memref<32768xi32, #tpu.memory_space<vmem>> -> memref<4096xi32, #tpu.memory_space<vmem>>
    %dma_wait3A_202 = tpu.memref_slice %arg2[%add3A_51] : memref<1048576xi32, #tpu.memory_space<hbm>> -> memref<4096xi32, #tpu.memory_space<hbm>>
    tpu.wait_dma2 semaphore(%arg13 : memref<!tpu.dma_semaphore, #tpu.memory_space<semaphore_mem>>) src(%dma_wait3A_202 : memref<4096xi32, #tpu.memory_space<hbm>>) dst(%dma_wait3A_201 : memref<4096xi32, #tpu.memory_space<vmem>>)
    %dma_wait3A_203 = arith.constant 12288 : i32
    %dma_wait3A_204 = tpu.memref_slice %arg7[%dma_wait3A_203] : memref<32768xi32, #tpu.memory_space<vmem>> -> memref<4096xi32, #tpu.memory_space<vmem>>
    %dma_wait3A_205 = tpu.memref_slice %arg3[%add3A_59] : memref<1048576xi32, #tpu.memory_space<hbm>> -> memref<4096xi32, #tpu.memory_space<hbm>>
    %dma_wait3A_206 = arith.constant 12288 : i32
    %dma_wait3A_207 = tpu.memref_slice %arg7[%dma_wait3A_206] : memref<32768xi32, #tpu.memory_space<vmem>> -> memref<4096xi32, #tpu.memory_space<vmem>>
    %dma_wait3A_208 = tpu.memref_slice %arg3[%add3A_59] : memref<1048576xi32, #tpu.memory_space<hbm>> -> memref<4096xi32, #tpu.memory_space<hbm>>
    tpu.wait_dma2 semaphore(%arg21 : memref<!tpu.dma_semaphore, #tpu.memory_space<semaphore_mem>>) src(%dma_wait3A_208 : memref<4096xi32, #tpu.memory_space<hbm>>) dst(%dma_wait3A_207 : memref<4096xi32, #tpu.memory_space<vmem>>)
    %parallel_loop3A_209 = arith.constant 12288 : i32
    %parallel_loop3A_210 = arith.constant 16384 : i32
    %parallel_loop3A_211 = arith.constant 16 : i32
    scf.for %parallel_loop3A_360 = %parallel_loop3A_209 to %parallel_loop3A_210 step %parallel_loop3A_211  : i32 {
      %parallel_loop3A_361 = arith.index_cast %parallel_loop3A_360 : i32 to index
      %parallel_loop3A_362 = tpu.vector_load %arg6[%parallel_loop3A_361] {strides = array<i32>} : memref<32768xi32, #tpu.memory_space<vmem>>, vector<16xi32>,
      %parallel_loop3A_363 = arith.constant 3 : i32
      %parallel_loop3A_364 = vector.broadcast %parallel_loop3A_363 : i32 to vector<16xi32>
      %parallel_loop3A_365 = arith.muli %parallel_loop3A_362, %parallel_loop3A_364 : vector<16xi32>
      %parallel_loop3A_366 = arith.index_cast %parallel_loop3A_360 : i32 to index
      %parallel_loop3A_367 = tpu.vector_load %arg7[%parallel_loop3A_366] {strides = array<i32>} : memref<32768xi32, #tpu.memory_space<vmem>>, vector<16xi32>,
      %parallel_loop3A_368 = arith.addi %parallel_loop3A_365, %parallel_loop3A_367 : vector<16xi32>
      %parallel_loop3A_369 = arith.constant 16 : i32
      %parallel_loop3A_370 = vector.broadcast %parallel_loop3A_369 : i32 to vector<16xi32>
      %parallel_loop3A_371 = arith.muli %parallel_loop3A_368, %parallel_loop3A_370 : vector<16xi32>
      %parallel_loop3A_372 = arith.addi %parallel_loop3A_371, %iota3A : vector<16xi32>
      %parallel_loop3A_373 = tpu.vector_load_idx %arg9[%parallel_loop3A_372] : memref<864xf32, #tpu.memory_space<vmem>>[vector<16xi32>], vector<16xf32>,
      %parallel_loop3A_374 = arith.index_cast %parallel_loop3A_360 : i32 to index
      %parallel_loop3A_375 = tpu.vector_load %arg8[%parallel_loop3A_374] {strides = array<i32>} : memref<32768xf32, #tpu.memory_space<vmem>>, vector<16xf32>,
      tpu.vector_store %arg8[%parallel_loop3A_374], %parallel_loop3A_373 {strides = array<i32>} : memref<32768xf32, #tpu.memory_space<vmem>>, vector<16xf32>,
    } {sc.loop_unroll_factor = 8 : i64, sc.parallel_access}
    %add3A_212 = arith.constant 12288 : i32
    %add3A_213 = arith.addi %mul3A_2, %add3A_212 : i32
    %dma_start3A_214 = arith.constant 12288 : i32
    %dma_start3A_215 = tpu.memref_slice %arg8[%dma_start3A_214] : memref<32768xf32, #tpu.memory_space<vmem>> -> memref<4096xf32, #tpu.memory_space<vmem>>
    %dma_start3A_216 = tpu.memref_slice %arg5[%add3A_213] : memref<1048576xf32, #tpu.memory_space<hbm>> -> memref<4096xf32, #tpu.memory_space<hbm>>
    %dma_start3A_217 = tpu.memref_slice %arg5[%add3A_213] : memref<1048576xf32, #tpu.memory_space<hbm>> -> memref<4096xf32, #tpu.memory_space<hbm>>
    %dma_start3A_218 = arith.constant 12288 : i32
    %dma_start3A_219 = tpu.memref_slice %arg8[%dma_start3A_218] : memref<32768xf32, #tpu.memory_space<vmem>> -> memref<4096xf32, #tpu.memory_space<vmem>>
    tpu.enqueue_dma source(%dma_start3A_219 : memref<4096xf32, #tpu.memory_space<vmem>>) target(%dma_start3A_217 : memref<4096xf32, #tpu.memory_space<hbm>>) target_semaphore(%arg29 : memref<!tpu.dma_semaphore, #tpu.memory_space<semaphore_mem>>)
    %dma_wait3A_220 = arith.constant 16384 : i32
    %dma_wait3A_221 = tpu.memref_slice %arg6[%dma_wait3A_220] : memref<32768xi32, #tpu.memory_space<vmem>> -> memref<4096xi32, #tpu.memory_space<vmem>>
    %dma_wait3A_222 = tpu.memref_slice %arg2[%add3A_67] : memref<1048576xi32, #tpu.memory_space<hbm>> -> memref<4096xi32, #tpu.memory_space<hbm>>
    %dma_wait3A_223 = arith.constant 16384 : i32
    %dma_wait3A_224 = tpu.memref_slice %arg6[%dma_wait3A_223] : memref<32768xi32, #tpu.memory_space<vmem>> -> memref<4096xi32, #tpu.memory_space<vmem>>
    %dma_wait3A_225 = tpu.memref_slice %arg2[%add3A_67] : memref<1048576xi32, #tpu.memory_space<hbm>> -> memref<4096xi32, #tpu.memory_space<hbm>>
    tpu.wait_dma2 semaphore(%arg14 : memref<!tpu.dma_semaphore, #tpu.memory_space<semaphore_mem>>) src(%dma_wait3A_225 : memref<4096xi32, #tpu.memory_space<hbm>>) dst(%dma_wait3A_224 : memref<4096xi32, #tpu.memory_space<vmem>>)
    %dma_wait3A_226 = arith.constant 16384 : i32
    %dma_wait3A_227 = tpu.memref_slice %arg7[%dma_wait3A_226] : memref<32768xi32, #tpu.memory_space<vmem>> -> memref<4096xi32, #tpu.memory_space<vmem>>
    %dma_wait3A_228 = tpu.memref_slice %arg3[%add3A_75] : memref<1048576xi32, #tpu.memory_space<hbm>> -> memref<4096xi32, #tpu.memory_space<hbm>>
    %dma_wait3A_229 = arith.constant 16384 : i32
    %dma_wait3A_230 = tpu.memref_slice %arg7[%dma_wait3A_229] : memref<32768xi32, #tpu.memory_space<vmem>> -> memref<4096xi32, #tpu.memory_space<vmem>>
    %dma_wait3A_231 = tpu.memref_slice %arg3[%add3A_75] : memref<1048576xi32, #tpu.memory_space<hbm>> -> memref<4096xi32, #tpu.memory_space<hbm>>
    tpu.wait_dma2 semaphore(%arg22 : memref<!tpu.dma_semaphore, #tpu.memory_space<semaphore_mem>>) src(%dma_wait3A_231 : memref<4096xi32, #tpu.memory_space<hbm>>) dst(%dma_wait3A_230 : memref<4096xi32, #tpu.memory_space<vmem>>)
    %parallel_loop3A_232 = arith.constant 16384 : i32
    %parallel_loop3A_233 = arith.constant 20480 : i32
    %parallel_loop3A_234 = arith.constant 16 : i32
    scf.for %parallel_loop3A_360 = %parallel_loop3A_232 to %parallel_loop3A_233 step %parallel_loop3A_234  : i32 {
      %parallel_loop3A_361 = arith.index_cast %parallel_loop3A_360 : i32 to index
      %parallel_loop3A_362 = tpu.vector_load %arg6[%parallel_loop3A_361] {strides = array<i32>} : memref<32768xi32, #tpu.memory_space<vmem>>, vector<16xi32>,
      %parallel_loop3A_363 = arith.constant 3 : i32
      %parallel_loop3A_364 = vector.broadcast %parallel_loop3A_363 : i32 to vector<16xi32>
      %parallel_loop3A_365 = arith.muli %parallel_loop3A_362, %parallel_loop3A_364 : vector<16xi32>
      %parallel_loop3A_366 = arith.index_cast %parallel_loop3A_360 : i32 to index
      %parallel_loop3A_367 = tpu.vector_load %arg7[%parallel_loop3A_366] {strides = array<i32>} : memref<32768xi32, #tpu.memory_space<vmem>>, vector<16xi32>,
      %parallel_loop3A_368 = arith.addi %parallel_loop3A_365, %parallel_loop3A_367 : vector<16xi32>
      %parallel_loop3A_369 = arith.constant 16 : i32
      %parallel_loop3A_370 = vector.broadcast %parallel_loop3A_369 : i32 to vector<16xi32>
      %parallel_loop3A_371 = arith.muli %parallel_loop3A_368, %parallel_loop3A_370 : vector<16xi32>
      %parallel_loop3A_372 = arith.addi %parallel_loop3A_371, %iota3A : vector<16xi32>
      %parallel_loop3A_373 = tpu.vector_load_idx %arg9[%parallel_loop3A_372] : memref<864xf32, #tpu.memory_space<vmem>>[vector<16xi32>], vector<16xf32>,
      %parallel_loop3A_374 = arith.index_cast %parallel_loop3A_360 : i32 to index
      %parallel_loop3A_375 = tpu.vector_load %arg8[%parallel_loop3A_374] {strides = array<i32>} : memref<32768xf32, #tpu.memory_space<vmem>>, vector<16xf32>,
      tpu.vector_store %arg8[%parallel_loop3A_374], %parallel_loop3A_373 {strides = array<i32>} : memref<32768xf32, #tpu.memory_space<vmem>>, vector<16xf32>,
    } {sc.loop_unroll_factor = 8 : i64, sc.parallel_access}
    %add3A_235 = arith.constant 16384 : i32
    %add3A_236 = arith.addi %mul3A_2, %add3A_235 : i32
    %dma_start3A_237 = arith.constant 16384 : i32
    %dma_start3A_238 = tpu.memref_slice %arg8[%dma_start3A_237] : memref<32768xf32, #tpu.memory_space<vmem>> -> memref<4096xf32, #tpu.memory_space<vmem>>
    %dma_start3A_239 = tpu.memref_slice %arg5[%add3A_236] : memref<1048576xf32, #tpu.memory_space<hbm>> -> memref<4096xf32, #tpu.memory_space<hbm>>
    %dma_start3A_240 = tpu.memref_slice %arg5[%add3A_236] : memref<1048576xf32, #tpu.memory_space<hbm>> -> memref<4096xf32, #tpu.memory_space<hbm>>
    %dma_start3A_241 = arith.constant 16384 : i32
    %dma_start3A_242 = tpu.memref_slice %arg8[%dma_start3A_241] : memref<32768xf32, #tpu.memory_space<vmem>> -> memref<4096xf32, #tpu.memory_space<vmem>>
    tpu.enqueue_dma source(%dma_start3A_242 : memref<4096xf32, #tpu.memory_space<vmem>>) target(%dma_start3A_240 : memref<4096xf32, #tpu.memory_space<hbm>>) target_semaphore(%arg30 : memref<!tpu.dma_semaphore, #tpu.memory_space<semaphore_mem>>)
    %dma_wait3A_243 = arith.constant 20480 : i32
    %dma_wait3A_244 = tpu.memref_slice %arg6[%dma_wait3A_243] : memref<32768xi32, #tpu.memory_space<vmem>> -> memref<4096xi32, #tpu.memory_space<vmem>>
    %dma_wait3A_245 = tpu.memref_slice %arg2[%add3A_83] : memref<1048576xi32, #tpu.memory_space<hbm>> -> memref<4096xi32, #tpu.memory_space<hbm>>
    %dma_wait3A_246 = arith.constant 20480 : i32
    %dma_wait3A_247 = tpu.memref_slice %arg6[%dma_wait3A_246] : memref<32768xi32, #tpu.memory_space<vmem>> -> memref<4096xi32, #tpu.memory_space<vmem>>
    %dma_wait3A_248 = tpu.memref_slice %arg2[%add3A_83] : memref<1048576xi32, #tpu.memory_space<hbm>> -> memref<4096xi32, #tpu.memory_space<hbm>>
    tpu.wait_dma2 semaphore(%arg15 : memref<!tpu.dma_semaphore, #tpu.memory_space<semaphore_mem>>) src(%dma_wait3A_248 : memref<4096xi32, #tpu.memory_space<hbm>>) dst(%dma_wait3A_247 : memref<4096xi32, #tpu.memory_space<vmem>>)
    %dma_wait3A_249 = arith.constant 20480 : i32
    %dma_wait3A_250 = tpu.memref_slice %arg7[%dma_wait3A_249] : memref<32768xi32, #tpu.memory_space<vmem>> -> memref<4096xi32, #tpu.memory_space<vmem>>
    %dma_wait3A_251 = tpu.memref_slice %arg3[%add3A_91] : memref<1048576xi32, #tpu.memory_space<hbm>> -> memref<4096xi32, #tpu.memory_space<hbm>>
    %dma_wait3A_252 = arith.constant 20480 : i32
    %dma_wait3A_253 = tpu.memref_slice %arg7[%dma_wait3A_252] : memref<32768xi32, #tpu.memory_space<vmem>> -> memref<4096xi32, #tpu.memory_space<vmem>>
    %dma_wait3A_254 = tpu.memref_slice %arg3[%add3A_91] : memref<1048576xi32, #tpu.memory_space<hbm>> -> memref<4096xi32, #tpu.memory_space<hbm>>
    tpu.wait_dma2 semaphore(%arg23 : memref<!tpu.dma_semaphore, #tpu.memory_space<semaphore_mem>>) src(%dma_wait3A_254 : memref<4096xi32, #tpu.memory_space<hbm>>) dst(%dma_wait3A_253 : memref<4096xi32, #tpu.memory_space<vmem>>)
    %parallel_loop3A_255 = arith.constant 20480 : i32
    %parallel_loop3A_256 = arith.constant 24576 : i32
    %parallel_loop3A_257 = arith.constant 16 : i32
    scf.for %parallel_loop3A_360 = %parallel_loop3A_255 to %parallel_loop3A_256 step %parallel_loop3A_257  : i32 {
      %parallel_loop3A_361 = arith.index_cast %parallel_loop3A_360 : i32 to index
      %parallel_loop3A_362 = tpu.vector_load %arg6[%parallel_loop3A_361] {strides = array<i32>} : memref<32768xi32, #tpu.memory_space<vmem>>, vector<16xi32>,
      %parallel_loop3A_363 = arith.constant 3 : i32
      %parallel_loop3A_364 = vector.broadcast %parallel_loop3A_363 : i32 to vector<16xi32>
      %parallel_loop3A_365 = arith.muli %parallel_loop3A_362, %parallel_loop3A_364 : vector<16xi32>
      %parallel_loop3A_366 = arith.index_cast %parallel_loop3A_360 : i32 to index
      %parallel_loop3A_367 = tpu.vector_load %arg7[%parallel_loop3A_366] {strides = array<i32>} : memref<32768xi32, #tpu.memory_space<vmem>>, vector<16xi32>,
      %parallel_loop3A_368 = arith.addi %parallel_loop3A_365, %parallel_loop3A_367 : vector<16xi32>
      %parallel_loop3A_369 = arith.constant 16 : i32
      %parallel_loop3A_370 = vector.broadcast %parallel_loop3A_369 : i32 to vector<16xi32>
      %parallel_loop3A_371 = arith.muli %parallel_loop3A_368, %parallel_loop3A_370 : vector<16xi32>
      %parallel_loop3A_372 = arith.addi %parallel_loop3A_371, %iota3A : vector<16xi32>
      %parallel_loop3A_373 = tpu.vector_load_idx %arg9[%parallel_loop3A_372] : memref<864xf32, #tpu.memory_space<vmem>>[vector<16xi32>], vector<16xf32>,
      %parallel_loop3A_374 = arith.index_cast %parallel_loop3A_360 : i32 to index
      %parallel_loop3A_375 = tpu.vector_load %arg8[%parallel_loop3A_374] {strides = array<i32>} : memref<32768xf32, #tpu.memory_space<vmem>>, vector<16xf32>,
      tpu.vector_store %arg8[%parallel_loop3A_374], %parallel_loop3A_373 {strides = array<i32>} : memref<32768xf32, #tpu.memory_space<vmem>>, vector<16xf32>,
    } {sc.loop_unroll_factor = 8 : i64, sc.parallel_access}
    %add3A_258 = arith.constant 20480 : i32
    %add3A_259 = arith.addi %mul3A_2, %add3A_258 : i32
    %dma_start3A_260 = arith.constant 20480 : i32
    %dma_start3A_261 = tpu.memref_slice %arg8[%dma_start3A_260] : memref<32768xf32, #tpu.memory_space<vmem>> -> memref<4096xf32, #tpu.memory_space<vmem>>
    %dma_start3A_262 = tpu.memref_slice %arg5[%add3A_259] : memref<1048576xf32, #tpu.memory_space<hbm>> -> memref<4096xf32, #tpu.memory_space<hbm>>
    %dma_start3A_263 = tpu.memref_slice %arg5[%add3A_259] : memref<1048576xf32, #tpu.memory_space<hbm>> -> memref<4096xf32, #tpu.memory_space<hbm>>
    %dma_start3A_264 = arith.constant 20480 : i32
    %dma_start3A_265 = tpu.memref_slice %arg8[%dma_start3A_264] : memref<32768xf32, #tpu.memory_space<vmem>> -> memref<4096xf32, #tpu.memory_space<vmem>>
    tpu.enqueue_dma source(%dma_start3A_265 : memref<4096xf32, #tpu.memory_space<vmem>>) target(%dma_start3A_263 : memref<4096xf32, #tpu.memory_space<hbm>>) target_semaphore(%arg31 : memref<!tpu.dma_semaphore, #tpu.memory_space<semaphore_mem>>)
    %dma_wait3A_266 = arith.constant 24576 : i32
    %dma_wait3A_267 = tpu.memref_slice %arg6[%dma_wait3A_266] : memref<32768xi32, #tpu.memory_space<vmem>> -> memref<4096xi32, #tpu.memory_space<vmem>>
    %dma_wait3A_268 = tpu.memref_slice %arg2[%add3A_99] : memref<1048576xi32, #tpu.memory_space<hbm>> -> memref<4096xi32, #tpu.memory_space<hbm>>
    %dma_wait3A_269 = arith.constant 24576 : i32
    %dma_wait3A_270 = tpu.memref_slice %arg6[%dma_wait3A_269] : memref<32768xi32, #tpu.memory_space<vmem>> -> memref<4096xi32, #tpu.memory_space<vmem>>
    %dma_wait3A_271 = tpu.memref_slice %arg2[%add3A_99] : memref<1048576xi32, #tpu.memory_space<hbm>> -> memref<4096xi32, #tpu.memory_space<hbm>>
    tpu.wait_dma2 semaphore(%arg16 : memref<!tpu.dma_semaphore, #tpu.memory_space<semaphore_mem>>) src(%dma_wait3A_271 : memref<4096xi32, #tpu.memory_space<hbm>>) dst(%dma_wait3A_270 : memref<4096xi32, #tpu.memory_space<vmem>>)
    %dma_wait3A_272 = arith.constant 24576 : i32
    %dma_wait3A_273 = tpu.memref_slice %arg7[%dma_wait3A_272] : memref<32768xi32, #tpu.memory_space<vmem>> -> memref<4096xi32, #tpu.memory_space<vmem>>
    %dma_wait3A_274 = tpu.memref_slice %arg3[%add3A_107] : memref<1048576xi32, #tpu.memory_space<hbm>> -> memref<4096xi32, #tpu.memory_space<hbm>>
    %dma_wait3A_275 = arith.constant 24576 : i32
    %dma_wait3A_276 = tpu.memref_slice %arg7[%dma_wait3A_275] : memref<32768xi32, #tpu.memory_space<vmem>> -> memref<4096xi32, #tpu.memory_space<vmem>>
    %dma_wait3A_277 = tpu.memref_slice %arg3[%add3A_107] : memref<1048576xi32, #tpu.memory_space<hbm>> -> memref<4096xi32, #tpu.memory_space<hbm>>
    tpu.wait_dma2 semaphore(%arg24 : memref<!tpu.dma_semaphore, #tpu.memory_space<semaphore_mem>>) src(%dma_wait3A_277 : memref<4096xi32, #tpu.memory_space<hbm>>) dst(%dma_wait3A_276 : memref<4096xi32, #tpu.memory_space<vmem>>)
    %parallel_loop3A_278 = arith.constant 24576 : i32
    %parallel_loop3A_279 = arith.constant 28672 : i32
    %parallel_loop3A_280 = arith.constant 16 : i32
    scf.for %parallel_loop3A_360 = %parallel_loop3A_278 to %parallel_loop3A_279 step %parallel_loop3A_280  : i32 {
      %parallel_loop3A_361 = arith.index_cast %parallel_loop3A_360 : i32 to index
      %parallel_loop3A_362 = tpu.vector_load %arg6[%parallel_loop3A_361] {strides = array<i32>} : memref<32768xi32, #tpu.memory_space<vmem>>, vector<16xi32>,
      %parallel_loop3A_363 = arith.constant 3 : i32
      %parallel_loop3A_364 = vector.broadcast %parallel_loop3A_363 : i32 to vector<16xi32>
      %parallel_loop3A_365 = arith.muli %parallel_loop3A_362, %parallel_loop3A_364 : vector<16xi32>
      %parallel_loop3A_366 = arith.index_cast %parallel_loop3A_360 : i32 to index
      %parallel_loop3A_367 = tpu.vector_load %arg7[%parallel_loop3A_366] {strides = array<i32>} : memref<32768xi32, #tpu.memory_space<vmem>>, vector<16xi32>,
      %parallel_loop3A_368 = arith.addi %parallel_loop3A_365, %parallel_loop3A_367 : vector<16xi32>
      %parallel_loop3A_369 = arith.constant 16 : i32
      %parallel_loop3A_370 = vector.broadcast %parallel_loop3A_369 : i32 to vector<16xi32>
      %parallel_loop3A_371 = arith.muli %parallel_loop3A_368, %parallel_loop3A_370 : vector<16xi32>
      %parallel_loop3A_372 = arith.addi %parallel_loop3A_371, %iota3A : vector<16xi32>
      %parallel_loop3A_373 = tpu.vector_load_idx %arg9[%parallel_loop3A_372] : memref<864xf32, #tpu.memory_space<vmem>>[vector<16xi32>], vector<16xf32>,
      %parallel_loop3A_374 = arith.index_cast %parallel_loop3A_360 : i32 to index
      %parallel_loop3A_375 = tpu.vector_load %arg8[%parallel_loop3A_374] {strides = array<i32>} : memref<32768xf32, #tpu.memory_space<vmem>>, vector<16xf32>,
      tpu.vector_store %arg8[%parallel_loop3A_374], %parallel_loop3A_373 {strides = array<i32>} : memref<32768xf32, #tpu.memory_space<vmem>>, vector<16xf32>,
    } {sc.loop_unroll_factor = 8 : i64, sc.parallel_access}
    %add3A_281 = arith.constant 24576 : i32
    %add3A_282 = arith.addi %mul3A_2, %add3A_281 : i32
    %dma_start3A_283 = arith.constant 24576 : i32
    %dma_start3A_284 = tpu.memref_slice %arg8[%dma_start3A_283] : memref<32768xf32, #tpu.memory_space<vmem>> -> memref<4096xf32, #tpu.memory_space<vmem>>
    %dma_start3A_285 = tpu.memref_slice %arg5[%add3A_282] : memref<1048576xf32, #tpu.memory_space<hbm>> -> memref<4096xf32, #tpu.memory_space<hbm>>
    %dma_start3A_286 = tpu.memref_slice %arg5[%add3A_282] : memref<1048576xf32, #tpu.memory_space<hbm>> -> memref<4096xf32, #tpu.memory_space<hbm>>
    %dma_start3A_287 = arith.constant 24576 : i32
    %dma_start3A_288 = tpu.memref_slice %arg8[%dma_start3A_287] : memref<32768xf32, #tpu.memory_space<vmem>> -> memref<4096xf32, #tpu.memory_space<vmem>>
    tpu.enqueue_dma source(%dma_start3A_288 : memref<4096xf32, #tpu.memory_space<vmem>>) target(%dma_start3A_286 : memref<4096xf32, #tpu.memory_space<hbm>>) target_semaphore(%arg32 : memref<!tpu.dma_semaphore, #tpu.memory_space<semaphore_mem>>)
    %dma_wait3A_289 = arith.constant 28672 : i32
    %dma_wait3A_290 = tpu.memref_slice %arg6[%dma_wait3A_289] : memref<32768xi32, #tpu.memory_space<vmem>> -> memref<4096xi32, #tpu.memory_space<vmem>>
    %dma_wait3A_291 = tpu.memref_slice %arg2[%add3A_115] : memref<1048576xi32, #tpu.memory_space<hbm>> -> memref<4096xi32, #tpu.memory_space<hbm>>
    %dma_wait3A_292 = arith.constant 28672 : i32
    %dma_wait3A_293 = tpu.memref_slice %arg6[%dma_wait3A_292] : memref<32768xi32, #tpu.memory_space<vmem>> -> memref<4096xi32, #tpu.memory_space<vmem>>
    %dma_wait3A_294 = tpu.memref_slice %arg2[%add3A_115] : memref<1048576xi32, #tpu.memory_space<hbm>> -> memref<4096xi32, #tpu.memory_space<hbm>>
    tpu.wait_dma2 semaphore(%arg17 : memref<!tpu.dma_semaphore, #tpu.memory_space<semaphore_mem>>) src(%dma_wait3A_294 : memref<4096xi32, #tpu.memory_space<hbm>>) dst(%dma_wait3A_293 : memref<4096xi32, #tpu.memory_space<vmem>>)
    %dma_wait3A_295 = arith.constant 28672 : i32
    %dma_wait3A_296 = tpu.memref_slice %arg7[%dma_wait3A_295] : memref<32768xi32, #tpu.memory_space<vmem>> -> memref<4096xi32, #tpu.memory_space<vmem>>
    %dma_wait3A_297 = tpu.memref_slice %arg3[%add3A_123] : memref<1048576xi32, #tpu.memory_space<hbm>> -> memref<4096xi32, #tpu.memory_space<hbm>>
    %dma_wait3A_298 = arith.constant 28672 : i32
    %dma_wait3A_299 = tpu.memref_slice %arg7[%dma_wait3A_298] : memref<32768xi32, #tpu.memory_space<vmem>> -> memref<4096xi32, #tpu.memory_space<vmem>>
    %dma_wait3A_300 = tpu.memref_slice %arg3[%add3A_123] : memref<1048576xi32, #tpu.memory_space<hbm>> -> memref<4096xi32, #tpu.memory_space<hbm>>
    tpu.wait_dma2 semaphore(%arg25 : memref<!tpu.dma_semaphore, #tpu.memory_space<semaphore_mem>>) src(%dma_wait3A_300 : memref<4096xi32, #tpu.memory_space<hbm>>) dst(%dma_wait3A_299 : memref<4096xi32, #tpu.memory_space<vmem>>)
    %parallel_loop3A_301 = arith.constant 28672 : i32
    %parallel_loop3A_302 = arith.constant 32768 : i32
    %parallel_loop3A_303 = arith.constant 16 : i32
    scf.for %parallel_loop3A_360 = %parallel_loop3A_301 to %parallel_loop3A_302 step %parallel_loop3A_303  : i32 {
      %parallel_loop3A_361 = arith.index_cast %parallel_loop3A_360 : i32 to index
      %parallel_loop3A_362 = tpu.vector_load %arg6[%parallel_loop3A_361] {strides = array<i32>} : memref<32768xi32, #tpu.memory_space<vmem>>, vector<16xi32>,
      %parallel_loop3A_363 = arith.constant 3 : i32
      %parallel_loop3A_364 = vector.broadcast %parallel_loop3A_363 : i32 to vector<16xi32>
      %parallel_loop3A_365 = arith.muli %parallel_loop3A_362, %parallel_loop3A_364 : vector<16xi32>
      %parallel_loop3A_366 = arith.index_cast %parallel_loop3A_360 : i32 to index
      %parallel_loop3A_367 = tpu.vector_load %arg7[%parallel_loop3A_366] {strides = array<i32>} : memref<32768xi32, #tpu.memory_space<vmem>>, vector<16xi32>,
      %parallel_loop3A_368 = arith.addi %parallel_loop3A_365, %parallel_loop3A_367 : vector<16xi32>
      %parallel_loop3A_369 = arith.constant 16 : i32
      %parallel_loop3A_370 = vector.broadcast %parallel_loop3A_369 : i32 to vector<16xi32>
      %parallel_loop3A_371 = arith.muli %parallel_loop3A_368, %parallel_loop3A_370 : vector<16xi32>
      %parallel_loop3A_372 = arith.addi %parallel_loop3A_371, %iota3A : vector<16xi32>
      %parallel_loop3A_373 = tpu.vector_load_idx %arg9[%parallel_loop3A_372] : memref<864xf32, #tpu.memory_space<vmem>>[vector<16xi32>], vector<16xf32>,
      %parallel_loop3A_374 = arith.index_cast %parallel_loop3A_360 : i32 to index
      %parallel_loop3A_375 = tpu.vector_load %arg8[%parallel_loop3A_374] {strides = array<i32>} : memref<32768xf32, #tpu.memory_space<vmem>>, vector<16xf32>,
      tpu.vector_store %arg8[%parallel_loop3A_374], %parallel_loop3A_373 {strides = array<i32>} : memref<32768xf32, #tpu.memory_space<vmem>>, vector<16xf32>,
    } {sc.loop_unroll_factor = 8 : i64, sc.parallel_access}
    %add3A_304 = arith.constant 28672 : i32
    %add3A_305 = arith.addi %mul3A_2, %add3A_304 : i32
    %dma_start3A_306 = arith.constant 28672 : i32
    %dma_start3A_307 = tpu.memref_slice %arg8[%dma_start3A_306] : memref<32768xf32, #tpu.memory_space<vmem>> -> memref<4096xf32, #tpu.memory_space<vmem>>
    %dma_start3A_308 = tpu.memref_slice %arg5[%add3A_305] : memref<1048576xf32, #tpu.memory_space<hbm>> -> memref<4096xf32, #tpu.memory_space<hbm>>
    %dma_start3A_309 = tpu.memref_slice %arg5[%add3A_305] : memref<1048576xf32, #tpu.memory_space<hbm>> -> memref<4096xf32, #tpu.memory_space<hbm>>
    %dma_start3A_310 = arith.constant 28672 : i32
    %dma_start3A_311 = tpu.memref_slice %arg8[%dma_start3A_310] : memref<32768xf32, #tpu.memory_space<vmem>> -> memref<4096xf32, #tpu.memory_space<vmem>>
    tpu.enqueue_dma source(%dma_start3A_311 : memref<4096xf32, #tpu.memory_space<vmem>>) target(%dma_start3A_309 : memref<4096xf32, #tpu.memory_space<hbm>>) target_semaphore(%arg33 : memref<!tpu.dma_semaphore, #tpu.memory_space<semaphore_mem>>)
    %dma_wait3A_312 = arith.constant 0 : i32
    %dma_wait3A_313 = tpu.memref_slice %arg8[%dma_wait3A_312] : memref<32768xf32, #tpu.memory_space<vmem>> -> memref<4096xf32, #tpu.memory_space<vmem>>
    %dma_wait3A_314 = tpu.memref_slice %arg5[%add3A_144] : memref<1048576xf32, #tpu.memory_space<hbm>> -> memref<4096xf32, #tpu.memory_space<hbm>>
    %dma_wait3A_315 = tpu.memref_slice %arg5[%add3A_144] : memref<1048576xf32, #tpu.memory_space<hbm>> -> memref<4096xf32, #tpu.memory_space<hbm>>
    %dma_wait3A_316 = arith.constant 0 : i32
    %dma_wait3A_317 = tpu.memref_slice %arg8[%dma_wait3A_316] : memref<32768xf32, #tpu.memory_space<vmem>> -> memref<4096xf32, #tpu.memory_space<vmem>>
    tpu.wait_dma2 semaphore(%arg26 : memref<!tpu.dma_semaphore, #tpu.memory_space<semaphore_mem>>) src(%dma_wait3A_317 : memref<4096xf32, #tpu.memory_space<vmem>>) dst(%dma_wait3A_315 : memref<4096xf32, #tpu.memory_space<hbm>>)
    %dma_wait3A_318 = arith.constant 4096 : i32
    %dma_wait3A_319 = tpu.memref_slice %arg8[%dma_wait3A_318] : memref<32768xf32, #tpu.memory_space<vmem>> -> memref<4096xf32, #tpu.memory_space<vmem>>
    %dma_wait3A_320 = tpu.memref_slice %arg5[%add3A_167] : memref<1048576xf32, #tpu.memory_space<hbm>> -> memref<4096xf32, #tpu.memory_space<hbm>>
    %dma_wait3A_321 = tpu.memref_slice %arg5[%add3A_167] : memref<1048576xf32, #tpu.memory_space<hbm>> -> memref<4096xf32, #tpu.memory_space<hbm>>
    %dma_wait3A_322 = arith.constant 4096 : i32
    %dma_wait3A_323 = tpu.memref_slice %arg8[%dma_wait3A_322] : memref<32768xf32, #tpu.memory_space<vmem>> -> memref<4096xf32, #tpu.memory_space<vmem>>
    tpu.wait_dma2 semaphore(%arg27 : memref<!tpu.dma_semaphore, #tpu.memory_space<semaphore_mem>>) src(%dma_wait3A_323 : memref<4096xf32, #tpu.memory_space<vmem>>) dst(%dma_wait3A_321 : memref<4096xf32, #tpu.memory_space<hbm>>)
    %dma_wait3A_324 = arith.constant 8192 : i32
    %dma_wait3A_325 = tpu.memref_slice %arg8[%dma_wait3A_324] : memref<32768xf32, #tpu.memory_space<vmem>> -> memref<4096xf32, #tpu.memory_space<vmem>>
    %dma_wait3A_326 = tpu.memref_slice %arg5[%add3A_190] : memref<1048576xf32, #tpu.memory_space<hbm>> -> memref<4096xf32, #tpu.memory_space<hbm>>
    %dma_wait3A_327 = tpu.memref_slice %arg5[%add3A_190] : memref<1048576xf32, #tpu.memory_space<hbm>> -> memref<4096xf32, #tpu.memory_space<hbm>>
    %dma_wait3A_328 = arith.constant 8192 : i32
    %dma_wait3A_329 = tpu.memref_slice %arg8[%dma_wait3A_328] : memref<32768xf32, #tpu.memory_space<vmem>> -> memref<4096xf32, #tpu.memory_space<vmem>>
    tpu.wait_dma2 semaphore(%arg28 : memref<!tpu.dma_semaphore, #tpu.memory_space<semaphore_mem>>) src(%dma_wait3A_329 : memref<4096xf32, #tpu.memory_space<vmem>>) dst(%dma_wait3A_327 : memref<4096xf32, #tpu.memory_space<hbm>>)
    %dma_wait3A_330 = arith.constant 12288 : i32
    %dma_wait3A_331 = tpu.memref_slice %arg8[%dma_wait3A_330] : memref<32768xf32, #tpu.memory_space<vmem>> -> memref<4096xf32, #tpu.memory_space<vmem>>
    %dma_wait3A_332 = tpu.memref_slice %arg5[%add3A_213] : memref<1048576xf32, #tpu.memory_space<hbm>> -> memref<4096xf32, #tpu.memory_space<hbm>>
    %dma_wait3A_333 = tpu.memref_slice %arg5[%add3A_213] : memref<1048576xf32, #tpu.memory_space<hbm>> -> memref<4096xf32, #tpu.memory_space<hbm>>
    %dma_wait3A_334 = arith.constant 12288 : i32
    %dma_wait3A_335 = tpu.memref_slice %arg8[%dma_wait3A_334] : memref<32768xf32, #tpu.memory_space<vmem>> -> memref<4096xf32, #tpu.memory_space<vmem>>
    tpu.wait_dma2 semaphore(%arg29 : memref<!tpu.dma_semaphore, #tpu.memory_space<semaphore_mem>>) src(%dma_wait3A_335 : memref<4096xf32, #tpu.memory_space<vmem>>) dst(%dma_wait3A_333 : memref<4096xf32, #tpu.memory_space<hbm>>)
    %dma_wait3A_336 = arith.constant 16384 : i32
    %dma_wait3A_337 = tpu.memref_slice %arg8[%dma_wait3A_336] : memref<32768xf32, #tpu.memory_space<vmem>> -> memref<4096xf32, #tpu.memory_space<vmem>>
    %dma_wait3A_338 = tpu.memref_slice %arg5[%add3A_236] : memref<1048576xf32, #tpu.memory_space<hbm>> -> memref<4096xf32, #tpu.memory_space<hbm>>
    %dma_wait3A_339 = tpu.memref_slice %arg5[%add3A_236] : memref<1048576xf32, #tpu.memory_space<hbm>> -> memref<4096xf32, #tpu.memory_space<hbm>>
    %dma_wait3A_340 = arith.constant 16384 : i32
    %dma_wait3A_341 = tpu.memref_slice %arg8[%dma_wait3A_340] : memref<32768xf32, #tpu.memory_space<vmem>> -> memref<4096xf32, #tpu.memory_space<vmem>>
    tpu.wait_dma2 semaphore(%arg30 : memref<!tpu.dma_semaphore, #tpu.memory_space<semaphore_mem>>) src(%dma_wait3A_341 : memref<4096xf32, #tpu.memory_space<vmem>>) dst(%dma_wait3A_339 : memref<4096xf32, #tpu.memory_space<hbm>>)
    %dma_wait3A_342 = arith.constant 20480 : i32
    %dma_wait3A_343 = tpu.memref_slice %arg8[%dma_wait3A_342] : memref<32768xf32, #tpu.memory_space<vmem>> -> memref<4096xf32, #tpu.memory_space<vmem>>
    %dma_wait3A_344 = tpu.memref_slice %arg5[%add3A_259] : memref<1048576xf32, #tpu.memory_space<hbm>> -> memref<4096xf32, #tpu.memory_space<hbm>>
    %dma_wait3A_345 = tpu.memref_slice %arg5[%add3A_259] : memref<1048576xf32, #tpu.memory_space<hbm>> -> memref<4096xf32, #tpu.memory_space<hbm>>
    %dma_wait3A_346 = arith.constant 20480 : i32
    %dma_wait3A_347 = tpu.memref_slice %arg8[%dma_wait3A_346] : memref<32768xf32, #tpu.memory_space<vmem>> -> memref<4096xf32, #tpu.memory_space<vmem>>
    tpu.wait_dma2 semaphore(%arg31 : memref<!tpu.dma_semaphore, #tpu.memory_space<semaphore_mem>>) src(%dma_wait3A_347 : memref<4096xf32, #tpu.memory_space<vmem>>) dst(%dma_wait3A_345 : memref<4096xf32, #tpu.memory_space<hbm>>)
    %dma_wait3A_348 = arith.constant 24576 : i32
    %dma_wait3A_349 = tpu.memref_slice %arg8[%dma_wait3A_348] : memref<32768xf32, #tpu.memory_space<vmem>> -> memref<4096xf32, #tpu.memory_space<vmem>>
    %dma_wait3A_350 = tpu.memref_slice %arg5[%add3A_282] : memref<1048576xf32, #tpu.memory_space<hbm>> -> memref<4096xf32, #tpu.memory_space<hbm>>
    %dma_wait3A_351 = tpu.memref_slice %arg5[%add3A_282] : memref<1048576xf32, #tpu.memory_space<hbm>> -> memref<4096xf32, #tpu.memory_space<hbm>>
    %dma_wait3A_352 = arith.constant 24576 : i32
    %dma_wait3A_353 = tpu.memref_slice %arg8[%dma_wait3A_352] : memref<32768xf32, #tpu.memory_space<vmem>> -> memref<4096xf32, #tpu.memory_space<vmem>>
    tpu.wait_dma2 semaphore(%arg32 : memref<!tpu.dma_semaphore, #tpu.memory_space<semaphore_mem>>) src(%dma_wait3A_353 : memref<4096xf32, #tpu.memory_space<vmem>>) dst(%dma_wait3A_351 : memref<4096xf32, #tpu.memory_space<hbm>>)
    %dma_wait3A_354 = arith.constant 28672 : i32
    %dma_wait3A_355 = tpu.memref_slice %arg8[%dma_wait3A_354] : memref<32768xf32, #tpu.memory_space<vmem>> -> memref<4096xf32, #tpu.memory_space<vmem>>
    %dma_wait3A_356 = tpu.memref_slice %arg5[%add3A_305] : memref<1048576xf32, #tpu.memory_space<hbm>> -> memref<4096xf32, #tpu.memory_space<hbm>>
    %dma_wait3A_357 = tpu.memref_slice %arg5[%add3A_305] : memref<1048576xf32, #tpu.memory_space<hbm>> -> memref<4096xf32, #tpu.memory_space<hbm>>
    %dma_wait3A_358 = arith.constant 28672 : i32
    %dma_wait3A_359 = tpu.memref_slice %arg8[%dma_wait3A_358] : memref<32768xf32, #tpu.memory_space<vmem>> -> memref<4096xf32, #tpu.memory_space<vmem>>
    tpu.wait_dma2 semaphore(%arg33 : memref<!tpu.dma_semaphore, #tpu.memory_space<semaphore_mem>>) src(%dma_wait3A_359 : memref<4096xf32, #tpu.memory_space<vmem>>) dst(%dma_wait3A_357 : memref<4096xf32, #tpu.memory_space<hbm>>)
    return
  }
}

</mosaic_0001>

<sc_bundles>
// kernel: kernel.3.cloned.1.call-start
scs
__scs_entry_jumppad:
0x0: {  	(pc) =	sbr.rel $0x88, $3  }
0x1: {  	(tag) =	ssettag $0x0;
	lr =	simm.s32 $0x1  }
0x2: {  	[smem:$0x3F9E] =	sst lr;
	_ =	strace $0xD0000000  }
0x3: {  	_ = 	snop  }
0x4: {  	_ = 	snop  }
0x5: {  	_ = 	snop  }
0x6: {  	_ = 	snop  }
0x7: {  	_ = 	snop  }
__scs_overlays_trampoline_lowered:
0x8: {  	[smem:$0x3FAD] =	sst s0  }
0x9: {  	[smem:$0x3FAE] =	sst s1  }
0xa: {  	[smem:$0x3FAF] =	sst s2  }
0xb: {  	[smem:$0x3FB0] =	sst s3  }
0xc: {  	[smem:$0x3FB1] =	sst s4  }
0xd: {  	[smem:$0x3FB2] =	sst s5  }
0xe: {  	[smem:$0x3FB3] =	sst s6  }
0xf: {  	[smem:$0x3FB4] =	sst s7  }
0x10: {  	[smem:$0x3FB5] =	sst s8  }
0x11: {  	[smem:$0x3FB6] =	sst s9;
	s0 =	simm.s32 @!p0 $0x0  }
0x12: {  	s1 =	sld [smem:$0x3F9C];
	s0 =	simm.s32 @p0 $0x1  }
0x13: {  	[smem:$0x3FB7] =	sst s0;
	s0 =	simm.s32 @!p1 $0x0  }
0x14: {  	s2 =	sld [smem:$0x3F9B];
	s0 =	simm.s32 @p1 $0x1  }
0x15: {  	[smem:$0x3FB8] =	sst s0;
	s0 =	simm.s32 @!p2 $0x0  }
0x16: {  	s3 =	sld [smem:$0x3FDB];
	s0 =	simm.s32 @p2 $0x1  }
0x17: {  	s4 =	simm.s32 $0x1BF5;
	[smem:$0x3FBA] =	sst s0  }
0x18: {  	s0 =	sld [smem:$0x3F9D];
	_ =	swait.ge [sflag:s4], $0x0  }
0x19: {  	s7 =	sld [smem:$0x3F9E]  }
0x1a: {  	s8 =	sadd.s32 $0xFFFFE003, lr  }
0x1b: {  	s9 =	sadd.s32 $0xFFFFFEF7, lr;
	s5 =	simm.s32 $0xFFFFFFFF;
	p2 =	slt.u32 s8, $0xFFFFF086  }
0x1c: {  	p1 =	slt.u32 s9, $0xF7A;
	s5 =	simm.s32 @!p2 $0x0  }
0x1d: {  	s5 =	simm.s32 @p1 $0x1;
	p0 =	seq.s32 s7, s2  }
0x1e: {  	s7 =	smul.u32 @!p0 $0xF7A, s2;
	p2 =	seq.s32 @!p0 s5, $0x0  }
0x1f: {  	s9 =	smul.u32 $0xF7A, s1;
	s8 =	simm.s32 @!p0 $0x1BF5;
	p2 =	por !p2, p0  }
0x20: {  	[sflag:s8] =	ssyncset.s32 @!p0 $0xFFFFF086;
	s6 =	sadd.s32 @!p0 s3, s7;
	s7 =	simm.s32 @!p0 $0x108  }
0x21: {  	s3 =	sadd.s32 s3, s9;
	s6 =	sadd.s32 @!p0 $0x88, s6;
	s7 =	simm.s32 @p2 $0x1082  }
0x22: {  	[simem:s7], [sflag:s8] =	dma.local @!p0 [hbm:s6], $0xF7A  }
0x23: {  	s9 =	sor.u32 $0xD0000000, s2;
	s6 =	simm.s32 $0x108;
	_ =	swait.ge @!p0 [sflag:s8], $0x0  }
0x24: {  	s3 =	sadd.s32 $0x88, s3;
	s6 =	simm.s32 @!p1 $0x1082;
	[sflag:s4] =	ssyncset.s32 $0xFFFFF086  }
0x25: {  	[simem:s6], [sflag:s4] =	dma.local [hbm:s3], $0xF7A  }
0x26: {  	[smem:$0x3F9E] =	sst s1;
	(tag) =	ssettag s2;
	_ =	strace s9  }
0x27: {  	s1 =	sld [smem:$0x3FAE]  }
0x28: {  	s2 =	sld [smem:$0x3FAF]  }
0x29: {  	s4 =	sld [smem:$0x3FB1]  }
0x2a: {  	p0 =	seq.s32 s5, $0x0;
	s5 =	sld [smem:$0x3FB2]  }
0x2b: {  	s6 =	sld [smem:$0x3FB3]  }
0x2c: {  	s7 =	sld [smem:$0x3FB4]  }
0x2d: {  	s3 =	simm.s32 $0x108;
	s8 =	sld [smem:$0x3FB5]  }
0x2e: {  	s3 =	simm.s32 @!p0 $0x1082;
	s9 =	sld [smem:$0x3FB6]  }
0x2f: {  	lr =	sadd.s32 s0, s3;
	s0 =	sld [smem:$0x3FAD]  }
0x30: {  	s3 =	sld [smem:$0x3FB0]  }
0x31: {  	[smem:$0x3FB9] =	sst s10  }
0x32: {  	s10 =	sld [smem:$0x3FB7];
	_ =	sdelay $0x3  }
0x33: {  	p0 =	seq.s32 s10, $0x1;
	s10 =	sld [smem:$0x3FB9];
	_ =	sdelay $0x3  }
0x34: {  	[smem:$0x3FB9] =	sst s10  }
0x35: {  	s10 =	sld [smem:$0x3FB8];
	_ =	sdelay $0x3  }
0x36: {  	p1 =	seq.s32 s10, $0x1;
	s10 =	sld [smem:$0x3FB9];
	_ =	sdelay $0x3  }
0x37: {  	[smem:$0x3FB9] =	sst s10  }
0x38: {  	s10 =	sld [smem:$0x3FBA]  }
0x39: {  	_ = 	snop;
	(pc) =	sbr.ind lr, $3  }
0x3a: {  	_ = 	snop  }
0x3b: {  	_ = 	snop  }
0x3c: {  	p2 =	seq.s32 s10, $0x1;
	s10 =	sld [smem:$0x3FB9]  }
0x3d: {  	_ =	shalt  }
0x3e: {  	_ =	shalt  }
0x3f: {  	_ =	shalt  }
0x40: {  	_ =	shalt  }
0x41: {  	_ =	shalt  }
0x42: {  	_ =	shalt  }
0x43: {  	_ =	shalt  }
0x44: {  	_ =	shalt  }
0x45: {  	_ =	shalt  }
0x46: {  	_ =	shalt  }
0x47: {  	_ =	shalt  }
0x48: {  	_ =	shalt  }
0x49: {  	_ =	shalt  }
0x4a: {  	_ =	shalt  }
0x4b: {  	_ =	shalt  }
0x4c: {  	_ =	shalt  }
0x4d: {  	_ =	shalt  }
0x4e: {  	_ =	shalt  }
0x4f: {  	_ =	shalt  }
0x50: {  	_ =	shalt  }
0x51: {  	_ =	shalt  }
0x52: {  	_ =	shalt  }
0x53: {  	_ =	shalt  }
0x54: {  	_ =	shalt  }
0x55: {  	_ =	shalt  }
0x56: {  	_ =	shalt  }
0x57: {  	_ =	shalt  }
0x58: {  	_ =	shalt  }
0x59: {  	_ =	shalt  }
0x5a: {  	_ =	shalt  }
0x5b: {  	_ =	shalt  }
0x5c: {  	_ =	shalt  }
0x5d: {  	_ =	shalt  }
0x5e: {  	_ =	shalt  }
0x5f: {  	_ =	shalt  }
0x60: {  	_ =	shalt  }
0x61: {  	_ =	shalt  }
0x62: {  	_ =	shalt  }
0x63: {  	_ =	shalt  }
0x64: {  	_ =	shalt  }
0x65: {  	_ =	shalt  }
0x66: {  	_ =	shalt  }
0x67: {  	_ =	shalt  }
0x68: {  	_ =	shalt  }
0x69: {  	_ =	shalt  }
0x6a: {  	_ =	shalt  }
0x6b: {  	_ =	shalt  }
0x6c: {  	_ =	shalt  }
0x6d: {  	_ =	shalt  }
0x6e: {  	_ =	shalt  }
0x6f: {  	_ =	shalt  }
0x70: {  	_ =	shalt  }
0x71: {  	_ =	shalt  }
0x72: {  	_ =	shalt  }
0x73: {  	_ =	shalt  }
0x74: {  	_ =	shalt  }
0x75: {  	_ =	shalt  }
0x76: {  	_ =	shalt  }
0x77: {  	_ =	shalt  }
0x78: {  	_ =	shalt  }
0x79: {  	_ =	shalt  }
0x7a: {  	_ =	shalt  }
0x7b: {  	_ =	shalt  }
0x7c: {  	_ =	shalt  }
0x7d: {  	_ =	shalt  }
0x7e: {  	_ =	shalt  }
0x7f: {  	_ =	shalt  }
0x80: {  	_ =	shalt  }
0x81: {  	_ =	shalt  }
0x82: {  	_ =	shalt  }
0x83: {  	_ =	shalt  }
0x84: {  	_ =	shalt  }
0x85: {  	_ =	shalt  }
0x86: {  	_ =	shalt  }
0x87: {  	_ =	shalt  }
.Lfunc_end0:
.L_simem_size_0:
called_computation_lowered:
.L_overlay_start_0:
0x88: {  	s2 =	sld [smem:$0x3FD9]  }
0x89: {  	s3 =	sld [smem:$0x3FFE];
	_ =	sdelay $0x1  }
0x8a: {  	s1 =	srdreg.scid  }
0x8b: {  	s0 =	sand.u32 $0x1, s1  }
0x8c: {  	s17 =	sshll.u32 s0, $0xA;
	s2 =	sadd.s32 s3, s2  }
0x8d: {  	s2 =	sadd.s32 s2, s17  }
0x8e: {  	[smem:$0x3FC5] =	sst s2  }
0x8f: {  	_ = 	snop  }
0x90: {  	s2 =	sld [smem:$0x3FC9]  }
0x91: {  	s18 =	sld [smem:$0x3FC8]  }
0x92: {  	s4 =	sld [smem:$0x3FD0];
	(tm) =	ssettm $0x1  }
0x93: {  	s5 =	sld [smem:$0x3FFB];
	_ =	sdelay $0x3  }
0x94: {  	_ =	strace s5  }
0x95: {  	s5 =	sld [smem:$0x3FFC];
	_ =	sdelay $0x3  }
0x96: {  	_ =	strace s5  }
0x97: {  	s5 =	sld [smem:$0x3FFD];
	_ =	sdelay $0x3  }
0x98: {  	_ =	strace s5  }
0x99: {  	_ =	strace $0x8FFFFFFF  }
0x9a: {  	s19 =	sld [smem:$0x3FDB];
	_ =	sdelay $0x1  }
0x9b: {  	s6 =	simm.s32 $_scs_section_size  }
0x9c: {  	s7 =	simm.s32 $_size__tile_overlayer_lowered;
	s8 =	simm.s32 $_tile_overlayer_lowered  }
0x9d: {  	s22 =	simm.s32 $0x1BFF;
	s21 =	sshll.u32 s8, $0x1;
	s5 =	sadd.s32 s6, s19  }
0x9e: {  	s9 =	simm.s32 $0x0;
	s20 =	sshll.u32 s7, $0x1;
	s7 =	sadd.s32 s21, s5  }
0x9f: {  	[timem:s9], [sflag:s22] =	dma.local [hbm:s7], s20  }
0xa0: {  	_ =	swait.ge [sflag:s22], s20  }
0xa1: {  	s6 =	ssub.s32 $0x0, s20;
	[sflag:s22] =	ssyncset.done $0x0  }
0xa2: {  	[sflag:s22] =	ssyncadd.s32 s6;
	_ =	sdelay $0x1  }
0xa3: {  	s23 =	simm.s32 $0x1B8B  }
0xa4: {  	_ =	swait.ge [sflag:s23], $0x1  }
0xa5: {  	[sflag:s23] =	ssyncset.done $0x0  }
0xa6: {  	s25 =	simm.s32 $0x1B8E;
	s24 =	sld [smem:$0x3FFE];
	[sflag:s23] =	ssyncadd.s32 $0xFFFFFFFF  }
0xa7: {  	s26 =	simm.s32 $execute0_lowered;
	[smem:$0x3FD2] =	sst s25  }
0xa8: {  	s7 =	sshll.u32 s26, $0x1;
	_ =	strace $0x80000046;
	[dreg:$0x1] =	wrdreg $0xFFFFFFFF  }
0xa9: {  	s28 =	simm.s32 $_size_execute0_lowered;
	s5 =	sadd.s32 s5, s7;
	[dreg:$0x0] =	wrdreg $0x0  }
0xaa: {  	s7 =	sshll.u32 s28, $0x1;
	[dreg:$0x2] =	wrdreg s5  }
0xab: {  	[dreg:$0x3] =	wrdreg s7  }
0xac: {  	[dreg:$0x4] =	wrdreg $0xC0  }
0xad: {  	_ =	task [dreg:s9], $0x5FFFF  }
0xae: {  	[dreg:$0x1] =	wrdreg $0xFFFFFFFF  }
0xaf: {  	[dreg:$0x0] =	wrdreg $0x60  }
0xb0: {  	[dreg:$0x2] =	wrdreg s2  }
0xb1: {  	[dreg:$0x3] =	wrdreg s18  }
0xb2: {  	[dreg:$0x4] =	wrdreg s24  }
0xb3: {  	[dreg:$0x5] =	wrdreg s4  }
0xb4: {  	[dreg:$0x6] =	wrdreg $0x9  }
0xb5: {  	_ =	task.clear_ibuf [dreg:s9], $0x7FFFF;
	_ =	strace $0x90000046  }
0xb6: {  	s29 =	simm.s32 $0x9;
	_ =	strace $0x80000048  }
0xb7: {  	_ =	swait.ge [sflag:s29], $0x1  }
0xb8: {  	[sflag:s29] =	ssyncadd.s32 $0xFFFFFFFF  }
0xb9: {  	_ =	strace $0x90000048  }
0xba: {  	_ =	sfence  }
0xbb: {  	s30 =	sld [smem:$0x0];
	_ =	sdelay $0x2  }
0xbc: {  	s31 =	sshll.u32 s1, $0xD;
	s1 =	sshrl.u32 s1, $0x2  }
0xbd: {  	s3 =	sand.u32 $0x4000, s31;
	s1 =	sadd.s32 s1, s30  }
0xbe: {  	s0 =	sor.u32 s3, s0;
	s1 =	sshll.u32 s1, $0x11  }
0xbf: {  	s0 =	sor.u32 s1, s0  }
0xc0: {  	s0 =	sadd.s32 $0x8F2B, s0  }
0xc1: {  	[sflag:s0] =	ssyncadd.remote.s32 $0x1  }
0xc2: {  	_ =	sfence.sel $0xFFFF  }
0xc3: {  	[dreg:$0x0] =	wrdreg $0xFFFFFFFF;
	(pc) =	sbr.abs _section_cstart, $3  }
0xc4: {  	[dreg:$0x1] =	wrdreg $0xFFFFFFFF  }
0xc5: {  	_ =	task.clear_ibuf [dreg:s9], $0x2FFFF;
	_ =	strace $0x9FFFFFFF  }
0xc6: {  	(tm) =	ssettm $0x7FFFFFFF  }
0xc7: {  	_ =	shalt  }
tec
execute0_lowered:
.L_overlay_start_1:
0x0: {  	(tag) =	ssettag $0x1  }
0x1: {  	s0 =	rddreg [dreg:$0x0];
	s1 =	srdreg.scid  }
0x2: {  	s2 =	rddreg [dreg:$0x1];
	s6 =	stileid.u32;
	s3 =	sand.u32 $0x1, s1  }
0x3: {  	s6 =	sshll.u32 s6, $0xD;
	s4 =	ssub.s32 $0x2, s3;
	s3 =	sshll.u32 s3, $0xC  }
0x4: {  	s19 =	rddreg [dreg:$0x3];
	s1 =	simm.s32 $0x0;
	s3 =	sor.u32 s3, s6  }
0x5: {  	[smem:$0x7FF] =	sst s1;
	s20 =	sadd.s32 s0, s3  }
0x6: {  	s21 =	sadd.s32 s2, s3;
	s22 =	sor.u32 $0x200, s3;
	[dreg:$0x5] =	wrdreg s20  }
0x7: {  	s25 =	sor.u32 $0x400, s3;
	[dreg:$0x6] =	wrdreg s21;
	s23 =	sadd.s32 s0, s22  }
0x8: {  	s24 =	sadd.s32 s2, s22;
	s7 =	sadd.s32 s0, s25;
	s26 =	sadd.s32 s2, s25  }
0x9: {  	s21 =	sadd.s32 s19, s22;
	s22 =	sadd.s32 s19, s25;
	s25 =	rddreg [dreg:$0x2]  }
0xa: {  	[dreg:$0x7] =	wrdreg s23  }
0xb: {  	[dreg:$0x8] =	wrdreg s24  }
0xc: {  	s28 =	sor.u32 $0x600, s3;
	[dreg:$0x9] =	wrdreg s7  }
0xd: {  	s8 =	sadd.s32 s0, s28;
	[dreg:$0xa] =	wrdreg s26  }
0xe: {  	s31 =	sor.u32 $0x800, s3;
	s29 =	sadd.s32 s2, s28;
	[dreg:$0xb] =	wrdreg s8  }
0xf: {  	s9 =	sadd.s32 s0, s31;
	[dreg:$0xc] =	wrdreg s29  }
0x10: {  	s14 =	sor.u32 $0xA00, s3;
	s13 =	sadd.s32 s2, s31;
	[dreg:$0xd] =	wrdreg s9  }
0x11: {  	s10 =	sadd.s32 s0, s14;
	[dreg:$0xe] =	wrdreg s13  }
0x12: {  	s15 =	sor.u32 $0xC00, s3;
	s12 =	sadd.s32 s2, s14;
	[dreg:$0xf] =	wrdreg s10  }
0x13: {  	s11 =	sor.u32 $0xE00, s3;
	s16 =	sadd.s32 s0, s15;
	[dreg:$0x10] =	wrdreg s12  }
0x14: {  	s0 =	sadd.s32 s0, s11;
	[dreg:$0x11] =	wrdreg s16  }
0x15: {  	s30 =	simm.s32 $0x18000;
	s17 =	sadd.s32 s2, s15;
	[dreg:$0x12] =	wrdreg s0  }
0x16: {  	s5 =	sshrl.u32 s4, $0x1;
	s18 =	sadd.s32 s2, s11;
	[dreg:$0x13] =	wrdreg s17  }
0x17: {  	s6 =	simm.s32 $0x4;
	s20 =	sadd.s32 s19, s3;
	[dreg:$0x14] =	wrdreg s18  }
0x18: {  	s4 =	ssub.s32 s4, s5;
	s5 =	simm.s32 $0xB;
	[dreg:$0x15] =	wrdreg s20  }
0x19: {  	s2 =	simm.s32 $0x2;
	s3 =	simm.s32 $0xA;
	[dreg:$0x16] =	wrdreg s21  }
0x1a: {  	[dreg:$0x17] =	wrdreg s22;
	s23 =	sadd.s32 s19, s28;
	s24 =	sadd.s32 s19, s31  }
0x1b: {  	s26 =	sadd.s32 s19, s14;
	s28 =	sadd.s32 s19, s15;
	s0 =	sadd.s32 s19, s11  }
0x1c: {  	s29 =	sadd.s32 $0x400, s25;
	s31 =	smax.u32 s4, $0x1;
	s4 =	simm.s32 $0x3  }
0x1d: {  	s7 =	simm.s32 $0xC;
	s8 =	simm.s32 $0x5;
	s9 =	simm.s32 $0xD  }
0x1e: {  	s10 =	simm.s32 $0x6;
	s11 =	simm.s32 $0xE;
	s12 =	simm.s32 $0x7  }
0x1f: {  	s13 =	simm.s32 $0xF;
	s14 =	simm.s32 $0x8;
	[dreg:$0x18] =	wrdreg s23  }
0x20: {  	s15 =	simm.s32 $0x10;
	s16 =	simm.s32 $0x11;
	[dreg:$0x19] =	wrdreg s24  }
0x21: {  	s17 =	simm.s32 $0x12;
	s18 =	simm.s32 $0x13;
	[dreg:$0x1a] =	wrdreg s26  }
0x22: {  	s19 =	simm.s32 $0x14;
	s21 =	simm.s32 $0x15;
	[dreg:$0x1b] =	wrdreg s28  }
0x23: {  	s22 =	simm.s32 $0x16;
	s25 =	simm.s32 $0x0;
	[dreg:$0x1c] =	wrdreg s0  }
0x24: {  	s0 =	simm.s32 $0x9;
	_ =	strace $0x80000047;
	[dreg:$0x1d] =	wrdreg s29  }
0x25: {  	v0 =	vlaneseq.u32;
	s23 =	simm.s32 $0x17;
	s24 =	simm.s32 $0x18;
	[dreg:$0x1e] =	wrdreg s31  }
.LBB2_1:
0x26: {  	s20 =	rddreg [dreg:$0x1d]  }
0x27: {  	[tilespmem:s30], [sflag:$0x19] =	stream.linear.gather [hbm4b:s20+s1], $0x380, $0x38;
	[tilespmem:$0x18380] =	vst v63  }
0x28: {  	s26 =	rddreg [dreg:$0x5]  }
0x29: {  	[tilespmem:s1], [sflag:$0x1] =	stream.linear.gather [hbm4b:s26+s1], $0x1000, $0x38;
	[tilespmem:$0x18380] =	vst v63  }
0x2a: {  	s20 =	rddreg [dreg:$0x6];
	s26 =	simm.s32 $0x8000  }
0x2b: {  	[tilespmem:s26], [sflag:$0x9] =	stream.linear.gather [hbm4b:s20+s1], $0x1000, $0x38;
	[tilespmem:$0x18380] =	vst v63  }
0x2c: {  	s20 =	rddreg [dreg:$0x7];
	s26 =	simm.s32 $0x1000  }
0x2d: {  	[tilespmem:s26], [sflag:$0x2] =	stream.linear.gather [hbm4b:s20+s1], $0x1000, $0x38;
	[tilespmem:$0x18380] =	vst v63  }
0x2e: {  	s20 =	rddreg [dreg:$0x8];
	s26 =	simm.s32 $0x9000  }
0x2f: {  	[tilespmem:s26], [sflag:$0xA] =	stream.linear.gather [hbm4b:s20+s1], $0x1000, $0x38;
	[tilespmem:$0x18380] =	vst v63  }
0x30: {  	s20 =	rddreg [dreg:$0x9];
	s26 =	simm.s32 $0x2000  }
0x31: {  	[tilespmem:s26], [sflag:$0x3] =	stream.linear.gather [hbm4b:s20+s1], $0x1000, $0x38;
	[tilespmem:$0x18380] =	vst v63  }
0x32: {  	s20 =	rddreg [dreg:$0xa];
	s26 =	simm.s32 $0xA000  }
0x33: {  	[tilespmem:s26], [sflag:$0xB] =	stream.linear.gather [hbm4b:s20+s1], $0x1000, $0x38;
	[tilespmem:$0x18380] =	vst v63  }
0x34: {  	s20 =	rddreg [dreg:$0xb];
	s26 =	simm.s32 $0x3000  }
0x35: {  	[tilespmem:s26], [sflag:$0x4] =	stream.linear.gather [hbm4b:s20+s1], $0x1000, $0x38;
	[tilespmem:$0x18380] =	vst v63  }
0x36: {  	s20 =	rddreg [dreg:$0xc];
	s26 =	simm.s32 $0xB000  }
0x37: {  	[tilespmem:s26], [sflag:$0xC] =	stream.linear.gather [hbm4b:s20+s1], $0x1000, $0x38;
	[tilespmem:$0x18380] =	vst v63  }
0x38: {  	s20 =	rddreg [dreg:$0xd];
	s26 =	simm.s32 $0x4000  }
0x39: {  	[tilespmem:s26], [sflag:$0x5] =	stream.linear.gather [hbm4b:s20+s1], $0x1000, $0x38;
	[tilespmem:$0x18380] =	vst v63  }
0x3a: {  	s20 =	rddreg [dreg:$0xe];
	s26 =	simm.s32 $0xC000  }
0x3b: {  	[tilespmem:s26], [sflag:$0xD] =	stream.linear.gather [hbm4b:s20+s1], $0x1000, $0x38;
	[tilespmem:$0x18380] =	vst v63  }
0x3c: {  	s20 =	rddreg [dreg:$0xf];
	s26 =	simm.s32 $0x5000  }
0x3d: {  	[tilespmem:s26], [sflag:$0x6] =	stream.linear.gather [hbm4b:s20+s1], $0x1000, $0x38;
	[tilespmem:$0x18380] =	vst v63  }
0x3e: {  	s20 =	rddreg [dreg:$0x10];
	s26 =	simm.s32 $0xD000  }
0x3f: {  	[tilespmem:s26], [sflag:$0xE] =	stream.linear.gather [hbm4b:s20+s1], $0x1000, $0x38;
	[tilespmem:$0x18380] =	vst v63  }
0x40: {  	s20 =	rddreg [dreg:$0x11];
	s26 =	simm.s32 $0x6000  }
0x41: {  	[tilespmem:s26], [sflag:$0x7] =	stream.linear.gather [hbm4b:s20+s1], $0x1000, $0x38;
	[tilespmem:$0x18380] =	vst v63  }
0x42: {  	s20 =	rddreg [dreg:$0x13];
	s26 =	simm.s32 $0xE000  }
0x43: {  	[tilespmem:s26], [sflag:$0xF] =	stream.linear.gather [hbm4b:s20+s1], $0x1000, $0x38;
	[tilespmem:$0x18380] =	vst v63  }
0x44: {  	s20 =	rddreg [dreg:$0x12];
	s26 =	simm.s32 $0x7000  }
0x45: {  	[tilespmem:s26], [sflag:$0x8] =	stream.linear.gather [hbm4b:s20+s1], $0x1000, $0x38;
	[tilespmem:$0x18380] =	vst v63  }
0x46: {  	s20 =	rddreg [dreg:$0x14];
	s26 =	simm.s32 $0xF000  }
0x47: {  	[tilespmem:s26], [sflag:$0x10] =	stream.linear.gather [hbm4b:s20+s1], $0x1000, $0x38;
	[tilespmem:$0x18380] =	vst v63  }
0x48: {  	s26 =	simm.s32 $0x19  }
0x49: {  	_ =	swait.ge [sflag:s26], $0x380  }
0x4a: {  	[sflag:s26] =	ssyncset.done $0x0  }
0x4b: {  	[sflag:s26] =	ssyncadd.s32 $0xFFFFFC80;
	s26 =	simm.s32 $0x1  }
0x4c: {  	_ =	swait.ge [sflag:s26], $0x1000  }
0x4d: {  	[sflag:s26] =	ssyncset.done $0x0  }
0x4e: {  	[sflag:s26] =	ssyncadd.s32 $0xFFFFF000  }
0x4f: {  	_ =	swait.ge [sflag:s0], $0x1000  }
0x50: {  	[sflag:s0] =	ssyncset.done $0x0  }
0x51: {  	s20 =	simm.s32 $0x40;
	[sflag:s0] =	ssyncadd.s32 $0xFFFFF000  }
0x52: {  	v1 =	vld [tilespmem:s20+$0x30]  }
0x53: {  	s26 =	simm.s32 $0x8040;
	v2 =	vld [tilespmem:s20+$0xFFFFFFD0]  }
0x54: {  	v3 =	vld [tilespmem:s26+$0x30]  }
0x55: {  	v4 =	vld [tilespmem:s20+$0xFFFFFFC0]  }
0x56: {  	v5 =	vld [tilespmem:s20+$0xFFFFFFE0]  }
0x57: {  	v6 =	vld [tilespmem:s26+$0xFFFFFFC0]  }
0x58: {  	v7 =	vld [tilespmem:s26+$0xFFFFFFD0]  }
0x59: {  	v8 =	vld [tilespmem:s20+$0xFFFFFFF0]  }
0x5a: {  	v9 =	vld [tilespmem:s20+$0x10]  }
0x5b: {  	v10 =	vld [tilespmem:s20+$0x20]  }
0x5c: {  	v11 =	vld [tilespmem:s26+$0x0]  }
0x5d: {  	v12 =	vld [tilespmem:s26+$0x10];
	v1 =	vmul.u32 $0x3, v1;
	v2 =	vmul.u32 $0x3, v2  }
0x5e: {  	v13 =	vld [tilespmem:s26+$0x20];
	v4 =	vmul.u32 $0x3, v4  }
0x5f: {  	v1 =	vadd.s32 v3, v1;
	v3 =	vld [tilespmem:s20+$0x0];
	v2 =	vadd.s32 v7, v2  }
0x60: {  	v4 =	vadd.s32 v6, v4;
	v6 =	vld [tilespmem:s26+$0xFFFFFFE0];
	v2 =	vshll.u32 v2, $0x4  }
0x61: {  	v7 =	vld [tilespmem:s26+$0xFFFFFFF0];
	s20 =	simm.s32 $0xC0;
	v2 =	vor.u32 v0, v2  }
0x62: {  	s26 =	simm.s32 $0x80C0;
	v15 =	vld [tilespmem:s20+$0xFFFFFFD0]  }
0x63: {  	v16 =	vld [tilespmem:s26+$0x30]  }
0x64: {  	v17 =	vld [tilespmem:s20+$0xFFFFFFE0]  }
0x65: {  	v18 =	vld [tilespmem:s20+$0xFFFFFFF0]  }
0x66: {  	v14 =	vld.idx.msk [tilespmem:v2+s30+$0x0], $0xffff  }
0x67: {  	v2 =	vld [tilespmem:s20+$0x30]  }
0x68: {  	v19 =	vld [tilespmem:s20+$0x0]  }
0x69: {  	v20 =	vld [tilespmem:s20+$0xFFFFFFC0]  }
0x6a: {  	v54 =	vld [tilespmem:s20+$0x10]  }
0x6b: {  	v5 =	vmul.u32 $0x3, v5;
	v8 =	vmul.u32 $0x3, v8;
	v9 =	vmul.u32 $0x3, v9;
	v56 =	vld [tilespmem:s26+$0xFFFFFFF0]  }
0x6c: {  	v1 =	vshll.u32 v1, $0x4;
	v4 =	vshll.u32 v4, $0x4;
	v57 =	vld [tilespmem:s26+$0x0];
	v2 =	vmul.u32 $0x3, v2  }
0x6d: {  	v58 =	vld [tilespmem:s26+$0x10];
	v1 =	vor.u32 v0, v1;
	v4 =	vor.u32 v0, v4;
	v5 =	vadd.s32 v6, v5  }
0x6e: {  	v60 =	vld [tilespmem:s26+$0x20];
	v3 =	vmul.u32 $0x3, v3;
	v5 =	vshll.u32 v5, $0x4;
	v2 =	vadd.s32 v16, v2  }
0x6f: {  	v10 =	vmul.u32 $0x3, v10;
	v6 =	vld [tilespmem:s26+$0xFFFFFFC0];
	v5 =	vor.u32 v0, v5;
	v2 =	vshll.u32 v2, $0x4  }
0x70: {  	v9 =	vadd.s32 v12, v9;
	v3 =	vadd.s32 v11, v3;
	v11 =	vld [tilespmem:s26+$0xFFFFFFD0];
	v2 =	vor.u32 v0, v2  }
0x71: {  	v10 =	vadd.s32 v13, v10;
	v9 =	vshll.u32 v9, $0x4;
	v7 =	vadd.s32 v7, v8;
	v8 =	vld [tilespmem:s20+$0x20]  }
0x72: {  	v9 =	vor.u32 v0, v9;
	v7 =	vshll.u32 v7, $0x4;
	v20 =	vmul.u32 $0x3, v20;
	v4 =	vld.idx.msk [tilespmem:v4+s30+$0x0], $0xffff  }
0x73: {  	v15 =	vmul.u32 $0x3, v15;
	v1 =	vld.idx.msk [tilespmem:v1+s30+$0x0], $0xffff;
	v7 =	vor.u32 v0, v7;
	v3 =	vshll.u32 v3, $0x4  }
0x74: {  	v17 =	vmul.u32 $0x3, v17;
	v3 =	vor.u32 v0, v3;
	v6 =	vadd.s32 v6, v20;
	v61 =	vld.idx.msk [tilespmem:v5+s30+$0x0], $0xffff  }
0x75: {  	v11 =	vadd.s32 v11, v15;
	v5 =	vmul.u32 $0x3, v54;
	v21 =	vld.idx.msk [tilespmem:v2+s30+$0x0], $0xffff;
	v2 =	vshll.u32 v10, $0x4  }
0x76: {  	s28 =	simm.s32 $0x10040;
	v55 =	vld [tilespmem:s26+$0xFFFFFFE0];
	v10 =	vmul.u32 $0x3, v18;
	v59 =	vor.u32 v0, v2;
	v2 =	vshll.u32 v6, $0x4  }
0x77: {  	[tilespmem:s28+$0xFFFFFFC0] =	vst v4;
	v4 =	vmul.u32 $0x3, v8;
	v6 =	vshll.u32 v11, $0x4;
	v11 =	vor.u32 v0, v2  }
0x78: {  	[tilespmem:s28+$0x30] =	vst v1;
	v1 =	vmul.u32 $0x3, v19;
	v10 =	vadd.s32 v56, v10;
	v62 =	vor.u32 v0, v6;
	v6 =	vld.idx.msk [tilespmem:v7+s30+$0x0], $0xffff  }
0x79: {  	v5 =	vadd.s32 v58, v5;
	v4 =	vadd.s32 v60, v4;
	v7 =	vld.idx.msk [tilespmem:v3+s30+$0x0], $0xffff;
	v8 =	vshll.u32 v10, $0x4  }
0x7a: {  	v5 =	vshll.u32 v5, $0x4;
	v3 =	vadd.s32 v57, v1;
	v1 =	vor.u32 v0, v8;
	v8 =	vld.idx.msk [tilespmem:v9+s30+$0x0], $0xffff  }
0x7b: {  	v12 =	vadd.s32 v55, v17;
	[tilespmem:s28+$0xFFFFFFD0] =	vst v14;
	v63 =	vshll.u32 v4, $0x4;
	v4 =	vor.u32 v0, v5;
	v9 =	vld.idx.msk [tilespmem:v59+s30+$0x0], $0xffff  }
0x7c: {  	s29 =	simm.s32 $0x100C0;
	v5 =	vor.u32 v0, v63;
	[tilespmem:s28+$0xFFFFFFE0] =	vst v61;
	v2 =	vshll.u32 v12, $0x4;
	v3 =	vshll.u32 v3, $0x4;
	v10 =	vld.idx.msk [tilespmem:v11+s30+$0x0], $0xffff  }
0x7d: {  	s31 =	simm.s32 $0x80;
	s20 =	simm.s32 $0x140;
	v2 =	vor.u32 v0, v2;
	v3 =	vor.u32 v0, v3;
	[tilespmem:s29+$0x30] =	vst v21;
	v11 =	vld.idx.msk [tilespmem:v62+s30+$0x0], $0xffff  }
.LBB2_2:
0x7e: {  	v12 =	vld [tilespmem:s20+$0x30];
	s31 =	sadd.s32 $0x80, s31;
	[tilespmem:s28+$0xFFFFFFF0] =	vst v6  }
0x7f: {  	s26 =	sadd.s32 $0x80, s26;
	v6 =	vld [tilespmem:s20+$0xFFFFFFD0];
	p0 =	slt.u32 s31, $0xF80;
	[tilespmem:s28+$0x0] =	vst v7  }
0x80: {  	v7 =	vld [tilespmem:s26+$0x30];
	[tilespmem:s28+$0x10] =	vst v8  }
0x81: {  	v8 =	vld [tilespmem:s20+$0xFFFFFFE0];
	[tilespmem:s28+$0x20] =	vst v9;
	s28 =	smov.u32 s29  }
0x82: {  	v9 =	vld [tilespmem:s20+$0xFFFFFFF0];
	[tilespmem:s29+$0xFFFFFFC0] =	vst v10  }
0x83: {  	v10 =	vld [tilespmem:s20+$0x0];
	v12 =	vmul.u32 $0x3, v12;
	[tilespmem:s29+$0xFFFFFFD0] =	vst v11  }
0x84: {  	v6 =	vmul.u32 $0x3, v6;
	v11 =	vld [tilespmem:s20+$0x10]  }
0x85: {  	v13 =	vld [tilespmem:s20+$0x20];
	v7 =	vadd.s32 v7, v12  }
0x86: {  	v12 =	vld [tilespmem:s20+$0xFFFFFFC0];
	v8 =	vmul.u32 $0x3, v8;
	v7 =	vshll.u32 v7, $0x4  }
0x87: {  	v14 =	vld [tilespmem:s26+$0xFFFFFFC0];
	v9 =	vmul.u32 $0x3, v9;
	v7 =	vor.u32 v0, v7  }
0x88: {  	v15 =	vld [tilespmem:s26+$0xFFFFFFD0];
	v10 =	vmul.u32 $0x3, v10  }
0x89: {  	v16 =	vld [tilespmem:s26+$0xFFFFFFE0];
	v11 =	vmul.u32 $0x3, v11  }
0x8a: {  	v17 =	vld [tilespmem:s26+$0xFFFFFFF0];
	v13 =	vmul.u32 $0x3, v13  }
0x8b: {  	v12 =	vmul.u32 $0x3, v12;
	v18 =	vld [tilespmem:s26+$0x0]  }
0x8c: {  	v19 =	vld.idx.msk [tilespmem:v7+s30+$0x0], $0xffff  }
0x8d: {  	v7 =	vadd.s32 v14, v12;
	v6 =	vadd.s32 v15, v6;
	v12 =	vld [tilespmem:s26+$0x10]  }
0x8e: {  	v7 =	vshll.u32 v7, $0x4;
	v6 =	vshll.u32 v6, $0x4;
	v8 =	vadd.s32 v16, v8;
	v14 =	vld [tilespmem:s26+$0x20]  }
0x8f: {  	v15 =	vor.u32 v0, v7;
	v7 =	vshll.u32 v8, $0x4;
	v8 =	vadd.s32 v17, v9;
	v16 =	vld.idx.msk [tilespmem:v2+s30+$0x0], $0xffff  }
0x90: {  	v17 =	vor.u32 v0, v6;
	v8 =	vshll.u32 v8, $0x4;
	v9 =	vadd.s32 v18, v10;
	v6 =	vld.idx.msk [tilespmem:v1+s30+$0x0], $0xffff  }
.Ltmp0:
0x91: {  	s29 =	sadd.s32 $0x80, s29;
	v2 =	vor.u32 v0, v7;
	v1 =	vor.u32 v0, v8;
	v8 =	vshll.u32 v9, $0x4;
	v7 =	vld.idx.msk [tilespmem:v3+s30+$0x0], $0xffff;
	(pc) =	sbr.rel @p0 .LBB2_2-.Ltmp0, $4  }
0x92: {  	v3 =	vor.u32 v0, v8;
	v9 =	vadd.s32 v12, v11;
	[tilespmem:s29+$0x30] =	vst v19;
	v8 =	vld.idx.msk [tilespmem:v4+s30+$0x0], $0xffff  }
0x93: {  	v4 =	vshll.u32 v9, $0x4;
	v11 =	vadd.s32 v14, v13;
	v9 =	vld.idx.msk [tilespmem:v5+s30+$0x0], $0xffff  }
0x94: {  	v10 =	vld.idx.msk [tilespmem:v15+s30+$0x0], $0xffff;
	v4 =	vor.u32 v0, v4;
	v5 =	vshll.u32 v11, $0x4  }
0x95: {  	s20 =	sadd.s32 $0x80, s20;
	v11 =	vld.idx.msk [tilespmem:v17+s30+$0x0], $0xffff;
	v5 =	vor.u32 v0, v5;
	[tilespmem:s28+$0xFFFFFFE0] =	vst v16  }
0x96: {  	_ =	sdelay $0x2  }
0x97: {  	[tilespmem:s28+$0xFFFFFFF0] =	vst v6  }
0x98: {  	[tilespmem:s28+$0x0] =	vst v7;
	v2 =	vld.idx.msk [tilespmem:v2+s30+$0x0], $0xffff  }
0x99: {  	v1 =	vld.idx.msk [tilespmem:v1+s30+$0x0], $0xffff;
	[tilespmem:s28+$0x10] =	vst v8  }
0x9a: {  	v3 =	vld.idx.msk [tilespmem:v3+s30+$0x0], $0xffff;
	[tilespmem:s28+$0x20] =	vst v9  }
0x9b: {  	v4 =	vld.idx.msk [tilespmem:v4+s30+$0x0], $0xffff;
	[tilespmem:s29+$0xFFFFFFC0] =	vst v10  }
0x9c: {  	v5 =	vld.idx.msk [tilespmem:v5+s30+$0x0], $0xffff;
	[tilespmem:s29+$0xFFFFFFD0] =	vst v11  }
0x9d: {  	[tilespmem:s29+$0xFFFFFFE0] =	vst v2  }
0x9e: {  	[tilespmem:s29+$0xFFFFFFF0] =	vst v1  }
0x9f: {  	[tilespmem:s29+$0x0] =	vst v3  }
0xa0: {  	[tilespmem:s29+$0x10] =	vst v4  }
0xa1: {  	[tilespmem:s29+$0x20] =	vst v5  }
0xa2: {  	s26 =	simm.s32 $0x10000;
	s20 =	rddreg [dreg:$0x15]  }
0xa3: {  	[hbm4b:s20+s1] =	stream.linear.scatter [tilespmem:s26], [sflag:$0x11], $0x1000, $0x38;
	[tilespmem:$0x18380] =	vst v63  }
0xa4: {  	_ =	swait.ge [sflag:s2], $0x1000  }
0xa5: {  	[sflag:s2] =	ssyncset.done $0x0  }
0xa6: {  	[sflag:s2] =	ssyncadd.s32 $0xFFFFF000  }
0xa7: {  	_ =	swait.ge [sflag:s3], $0x1000  }
0xa8: {  	[sflag:s3] =	ssyncset.done $0x0  }
0xa9: {  	s20 =	simm.s32 $0x1070;
	[sflag:s3] =	ssyncadd.s32 $0xFFFFF000  }
0xaa: {  	v1 =	vld [tilespmem:s20+$0x0]  }
0xab: {  	s26 =	simm.s32 $0x9070;
	v2 =	vld [tilespmem:s20+$0xFFFFFFA0]  }
0xac: {  	v3 =	vld [tilespmem:s26+$0x0]  }
0xad: {  	v4 =	vld [tilespmem:s20+$0xFFFFFF90]  }
0xae: {  	v5 =	vld [tilespmem:s20+$0xFFFFFFB0]  }
0xaf: {  	v6 =	vld [tilespmem:s26+$0xFFFFFF90]  }
0xb0: {  	v7 =	vld [tilespmem:s26+$0xFFFFFFA0]  }
0xb1: {  	v8 =	vld [tilespmem:s20+$0xFFFFFFC0]  }
0xb2: {  	v9 =	vld [tilespmem:s20+$0xFFFFFFE0]  }
0xb3: {  	v10 =	vld [tilespmem:s20+$0xFFFFFFF0]  }
0xb4: {  	v11 =	vld [tilespmem:s26+$0xFFFFFFD0]  }
0xb5: {  	v12 =	vld [tilespmem:s26+$0xFFFFFFE0];
	v1 =	vmul.u32 $0x3, v1;
	v2 =	vmul.u32 $0x3, v2  }
0xb6: {  	v13 =	vld [tilespmem:s26+$0xFFFFFFF0];
	v4 =	vmul.u32 $0x3, v4  }
0xb7: {  	v1 =	vadd.s32 v3, v1;
	v3 =	vld [tilespmem:s20+$0xFFFFFFD0];
	v2 =	vadd.s32 v7, v2  }
0xb8: {  	v4 =	vadd.s32 v6, v4;
	v6 =	vld [tilespmem:s26+$0xFFFFFFB0];
	v2 =	vshll.u32 v2, $0x4  }
0xb9: {  	v7 =	vld [tilespmem:s26+$0xFFFFFFC0];
	s20 =	simm.s32 $0x10F0;
	v2 =	vor.u32 v0, v2  }
0xba: {  	s26 =	simm.s32 $0x90F0;
	v15 =	vld [tilespmem:s20+$0xFFFFFFA0]  }
0xbb: {  	v16 =	vld [tilespmem:s26+$0x0]  }
0xbc: {  	v17 =	vld [tilespmem:s20+$0xFFFFFFB0]  }
0xbd: {  	v18 =	vld [tilespmem:s20+$0xFFFFFFC0]  }
0xbe: {  	v14 =	vld.idx.msk [tilespmem:v2+s30+$0x0], $0xffff  }
0xbf: {  	v2 =	vld [tilespmem:s20+$0x0]  }
0xc0: {  	v19 =	vld [tilespmem:s20+$0xFFFFFFD0]  }
0xc1: {  	v20 =	vld [tilespmem:s20+$0xFFFFFF90]  }
0xc2: {  	v54 =	vld [tilespmem:s20+$0xFFFFFFE0]  }
0xc3: {  	v5 =	vmul.u32 $0x3, v5;
	v8 =	vmul.u32 $0x3, v8;
	v9 =	vmul.u32 $0x3, v9;
	v56 =	vld [tilespmem:s26+$0xFFFFFFC0]  }
0xc4: {  	v1 =	vshll.u32 v1, $0x4;
	v4 =	vshll.u32 v4, $0x4;
	v57 =	vld [tilespmem:s26+$0xFFFFFFD0];
	v2 =	vmul.u32 $0x3, v2  }
0xc5: {  	v58 =	vld [tilespmem:s26+$0xFFFFFFE0];
	v1 =	vor.u32 v0, v1;
	v4 =	vor.u32 v0, v4;
	v5 =	vadd.s32 v6, v5  }
0xc6: {  	v60 =	vld [tilespmem:s26+$0xFFFFFFF0];
	v3 =	vmul.u32 $0x3, v3;
	v5 =	vshll.u32 v5, $0x4;
	v2 =	vadd.s32 v16, v2  }
0xc7: {  	v10 =	vmul.u32 $0x3, v10;
	v6 =	vld [tilespmem:s26+$0xFFFFFF90];
	v5 =	vor.u32 v0, v5;
	v2 =	vshll.u32 v2, $0x4  }
0xc8: {  	v9 =	vadd.s32 v12, v9;
	v3 =	vadd.s32 v11, v3;
	v11 =	vld [tilespmem:s26+$0xFFFFFFA0];
	v2 =	vor.u32 v0, v2  }
0xc9: {  	v10 =	vadd.s32 v13, v10;
	v9 =	vshll.u32 v9, $0x4;
	v7 =	vadd.s32 v7, v8;
	v8 =	vld [tilespmem:s20+$0xFFFFFFF0]  }
0xca: {  	v9 =	vor.u32 v0, v9;
	v7 =	vshll.u32 v7, $0x4;
	v20 =	vmul.u32 $0x3, v20;
	v4 =	vld.idx.msk [tilespmem:v4+s30+$0x0], $0xffff  }
0xcb: {  	v15 =	vmul.u32 $0x3, v15;
	v1 =	vld.idx.msk [tilespmem:v1+s30+$0x0], $0xffff;
	v7 =	vor.u32 v0, v7;
	v3 =	vshll.u32 v3, $0x4  }
0xcc: {  	v17 =	vmul.u32 $0x3, v17;
	v3 =	vor.u32 v0, v3;
	v6 =	vadd.s32 v6, v20;
	v61 =	vld.idx.msk [tilespmem:v5+s30+$0x0], $0xffff  }
0xcd: {  	v11 =	vadd.s32 v11, v15;
	v5 =	vmul.u32 $0x3, v54;
	v21 =	vld.idx.msk [tilespmem:v2+s30+$0x0], $0xffff;
	v2 =	vshll.u32 v10, $0x4  }
0xce: {  	s28 =	simm.s32 $0x11070;
	v55 =	vld [tilespmem:s26+$0xFFFFFFB0];
	v10 =	vmul.u32 $0x3, v18;
	v59 =	vor.u32 v0, v2;
	v2 =	vshll.u32 v6, $0x4  }
0xcf: {  	[tilespmem:s28+$0xFFFFFF90] =	vst v4;
	v4 =	vmul.u32 $0x3, v8;
	v6 =	vshll.u32 v11, $0x4;
	v11 =	vor.u32 v0, v2  }
0xd0: {  	[tilespmem:s28+$0x0] =	vst v1;
	v1 =	vmul.u32 $0x3, v19;
	v10 =	vadd.s32 v56, v10;
	v62 =	vor.u32 v0, v6;
	v6 =	vld.idx.msk [tilespmem:v7+s30+$0x0], $0xffff  }
0xd1: {  	v5 =	vadd.s32 v58, v5;
	v4 =	vadd.s32 v60, v4;
	v7 =	vld.idx.msk [tilespmem:v3+s30+$0x0], $0xffff;
	v8 =	vshll.u32 v10, $0x4  }
0xd2: {  	v5 =	vshll.u32 v5, $0x4;
	v3 =	vadd.s32 v57, v1;
	v1 =	vor.u32 v0, v8;
	v8 =	vld.idx.msk [tilespmem:v9+s30+$0x0], $0xffff  }
0xd3: {  	v12 =	vadd.s32 v55, v17;
	[tilespmem:s28+$0xFFFFFFA0] =	vst v14;
	v63 =	vshll.u32 v4, $0x4;
	v4 =	vor.u32 v0, v5;
	v9 =	vld.idx.msk [tilespmem:v59+s30+$0x0], $0xffff  }
0xd4: {  	s29 =	simm.s32 $0x110F0;
	v5 =	vor.u32 v0, v63;
	[tilespmem:s28+$0xFFFFFFB0] =	vst v61;
	v2 =	vshll.u32 v12, $0x4;
	v3 =	vshll.u32 v3, $0x4;
	v10 =	vld.idx.msk [tilespmem:v11+s30+$0x0], $0xffff  }
0xd5: {  	s31 =	simm.s32 $0x1080;
	s20 =	simm.s32 $0x1170;
	v2 =	vor.u32 v0, v2;
	v3 =	vor.u32 v0, v3;
	[tilespmem:s29+$0x0] =	vst v21;
	v11 =	vld.idx.msk [tilespmem:v62+s30+$0x0], $0xffff  }
.LBB2_4:
0xd6: {  	v12 =	vld [tilespmem:s20+$0x0];
	s31 =	sadd.s32 $0x80, s31;
	[tilespmem:s28+$0xFFFFFFC0] =	vst v6  }
0xd7: {  	s26 =	sadd.s32 $0x80, s26;
	v6 =	vld [tilespmem:s20+$0xFFFFFFA0];
	p0 =	slt.u32 s31, $0x1F80;
	[tilespmem:s28+$0xFFFFFFD0] =	vst v7  }
0xd8: {  	v7 =	vld [tilespmem:s26+$0x0];
	[tilespmem:s28+$0xFFFFFFE0] =	vst v8  }
0xd9: {  	v8 =	vld [tilespmem:s20+$0xFFFFFFB0];
	[tilespmem:s28+$0xFFFFFFF0] =	vst v9;
	s28 =	smov.u32 s29  }
0xda: {  	v9 =	vld [tilespmem:s20+$0xFFFFFFC0];
	[tilespmem:s29+$0xFFFFFF90] =	vst v10  }
0xdb: {  	v10 =	vld [tilespmem:s20+$0xFFFFFFD0];
	v12 =	vmul.u32 $0x3, v12;
	[tilespmem:s29+$0xFFFFFFA0] =	vst v11  }
0xdc: {  	v6 =	vmul.u32 $0x3, v6;
	v11 =	vld [tilespmem:s20+$0xFFFFFFE0]  }
0xdd: {  	v13 =	vld [tilespmem:s20+$0xFFFFFFF0];
	v7 =	vadd.s32 v7, v12  }
0xde: {  	v12 =	vld [tilespmem:s20+$0xFFFFFF90];
	v8 =	vmul.u32 $0x3, v8;
	v7 =	vshll.u32 v7, $0x4  }
0xdf: {  	v14 =	vld [tilespmem:s26+$0xFFFFFF90];
	v9 =	vmul.u32 $0x3, v9;
	v7 =	vor.u32 v0, v7  }
0xe0: {  	v15 =	vld [tilespmem:s26+$0xFFFFFFA0];
	v10 =	vmul.u32 $0x3, v10  }
0xe1: {  	v16 =	vld [tilespmem:s26+$0xFFFFFFB0];
	v11 =	vmul.u32 $0x3, v11  }
0xe2: {  	v17 =	vld [tilespmem:s26+$0xFFFFFFC0];
	v13 =	vmul.u32 $0x3, v13  }
0xe3: {  	v12 =	vmul.u32 $0x3, v12;
	v18 =	vld [tilespmem:s26+$0xFFFFFFD0]  }
0xe4: {  	v19 =	vld.idx.msk [tilespmem:v7+s30+$0x0], $0xffff  }
0xe5: {  	v7 =	vadd.s32 v14, v12;
	v6 =	vadd.s32 v15, v6;
	v12 =	vld [tilespmem:s26+$0xFFFFFFE0]  }
0xe6: {  	v7 =	vshll.u32 v7, $0x4;
	v6 =	vshll.u32 v6, $0x4;
	v8 =	vadd.s32 v16, v8;
	v14 =	vld [tilespmem:s26+$0xFFFFFFF0]  }
0xe7: {  	v15 =	vor.u32 v0, v7;
	v7 =	vshll.u32 v8, $0x4;
	v8 =	vadd.s32 v17, v9;
	v16 =	vld.idx.msk [tilespmem:v2+s30+$0x0], $0xffff  }
0xe8: {  	v17 =	vor.u32 v0, v6;
	v8 =	vshll.u32 v8, $0x4;
	v9 =	vadd.s32 v18, v10;
	v6 =	vld.idx.msk [tilespmem:v1+s30+$0x0], $0xffff  }
.Ltmp1:
0xe9: {  	s29 =	sadd.s32 $0x80, s29;
	v2 =	vor.u32 v0, v7;
	v1 =	vor.u32 v0, v8;
	v8 =	vshll.u32 v9, $0x4;
	v7 =	vld.idx.msk [tilespmem:v3+s30+$0x0], $0xffff;
	(pc) =	sbr.rel @p0 .LBB2_4-.Ltmp1, $4  }
0xea: {  	v3 =	vor.u32 v0, v8;
	v9 =	vadd.s32 v12, v11;
	[tilespmem:s29+$0x0] =	vst v19;
	v8 =	vld.idx.msk [tilespmem:v4+s30+$0x0], $0xffff  }
0xeb: {  	v4 =	vshll.u32 v9, $0x4;
	v11 =	vadd.s32 v14, v13;
	v9 =	vld.idx.msk [tilespmem:v5+s30+$0x0], $0xffff  }
0xec: {  	v10 =	vld.idx.msk [tilespmem:v15+s30+$0x0], $0xffff;
	v4 =	vor.u32 v0, v4;
	v5 =	vshll.u32 v11, $0x4  }
0xed: {  	s20 =	sadd.s32 $0x80, s20;
	v11 =	vld.idx.msk [tilespmem:v17+s30+$0x0], $0xffff;
	v5 =	vor.u32 v0, v5;
	[tilespmem:s28+$0xFFFFFFB0] =	vst v16  }
0xee: {  	_ =	sdelay $0x2  }
0xef: {  	[tilespmem:s28+$0xFFFFFFC0] =	vst v6  }
0xf0: {  	[tilespmem:s28+$0xFFFFFFD0] =	vst v7;
	v2 =	vld.idx.msk [tilespmem:v2+s30+$0x0], $0xffff  }
0xf1: {  	v1 =	vld.idx.msk [tilespmem:v1+s30+$0x0], $0xffff;
	[tilespmem:s28+$0xFFFFFFE0] =	vst v8  }
0xf2: {  	v3 =	vld.idx.msk [tilespmem:v3+s30+$0x0], $0xffff;
	[tilespmem:s28+$0xFFFFFFF0] =	vst v9  }
0xf3: {  	v4 =	vld.idx.msk [tilespmem:v4+s30+$0x0], $0xffff;
	[tilespmem:s29+$0xFFFFFF90] =	vst v10  }
0xf4: {  	v5 =	vld.idx.msk [tilespmem:v5+s30+$0x0], $0xffff;
	[tilespmem:s29+$0xFFFFFFA0] =	vst v11  }
0xf5: {  	[tilespmem:s29+$0xFFFFFFB0] =	vst v2  }
0xf6: {  	[tilespmem:s29+$0xFFFFFFC0] =	vst v1  }
0xf7: {  	[tilespmem:s29+$0xFFFFFFD0] =	vst v3  }
0xf8: {  	[tilespmem:s29+$0xFFFFFFE0] =	vst v4  }
0xf9: {  	[tilespmem:s29+$0xFFFFFFF0] =	vst v5  }
0xfa: {  	s26 =	simm.s32 $0x11000;
	s20 =	rddreg [dreg:$0x16]  }
0xfb: {  	[hbm4b:s20+s1] =	stream.linear.scatter [tilespmem:s26], [sflag:$0x12], $0x1000, $0x38;
	[tilespmem:$0x18380] =	vst v63  }
0xfc: {  	_ =	swait.ge [sflag:s4], $0x1000  }
0xfd: {  	[sflag:s4] =	ssyncset.done $0x0  }
0xfe: {  	[sflag:s4] =	ssyncadd.s32 $0xFFFFF000  }
0xff: {  	_ =	swait.ge [sflag:s5], $0x1000  }
0x100: {  	[sflag:s5] =	ssyncset.done $0x0  }
0x101: {  	s20 =	simm.s32 $0x2070;
	[sflag:s5] =	ssyncadd.s32 $0xFFFFF000  }
0x102: {  	v1 =	vld [tilespmem:s20+$0x0]  }
0x103: {  	s26 =	simm.s32 $0xA070;
	v2 =	vld [tilespmem:s20+$0xFFFFFFA0]  }
0x104: {  	v3 =	vld [tilespmem:s26+$0x0]  }
0x105: {  	v4 =	vld [tilespmem:s20+$0xFFFFFF90]  }
0x106: {  	v5 =	vld [tilespmem:s20+$0xFFFFFFB0]  }
0x107: {  	v6 =	vld [tilespmem:s26+$0xFFFFFF90]  }
0x108: {  	v7 =	vld [tilespmem:s26+$0xFFFFFFA0]  }
0x109: {  	v8 =	vld [tilespmem:s20+$0xFFFFFFC0]  }
0x10a: {  	v9 =	vld [tilespmem:s20+$0xFFFFFFE0]  }
0x10b: {  	v10 =	vld [tilespmem:s20+$0xFFFFFFF0]  }
0x10c: {  	v11 =	vld [tilespmem:s26+$0xFFFFFFD0]  }
0x10d: {  	v12 =	vld [tilespmem:s26+$0xFFFFFFE0];
	v1 =	vmul.u32 $0x3, v1;
	v2 =	vmul.u32 $0x3, v2  }
0x10e: {  	v13 =	vld [tilespmem:s26+$0xFFFFFFF0];
	v4 =	vmul.u32 $0x3, v4  }
0x10f: {  	v1 =	vadd.s32 v3, v1;
	v3 =	vld [tilespmem:s20+$0xFFFFFFD0];
	v2 =	vadd.s32 v7, v2  }
0x110: {  	v4 =	vadd.s32 v6, v4;
	v6 =	vld [tilespmem:s26+$0xFFFFFFB0];
	v2 =	vshll.u32 v2, $0x4  }
0x111: {  	v7 =	vld [tilespmem:s26+$0xFFFFFFC0];
	s20 =	simm.s32 $0x20F0;
	v2 =	vor.u32 v0, v2  }
0x112: {  	s26 =	simm.s32 $0xA0F0;
	v15 =	vld [tilespmem:s20+$0xFFFFFFA0]  }
0x113: {  	v16 =	vld [tilespmem:s26+$0x0]  }
0x114: {  	v17 =	vld [tilespmem:s20+$0xFFFFFFB0]  }
0x115: {  	v18 =	vld [tilespmem:s20+$0xFFFFFFC0]  }
0x116: {  	v14 =	vld.idx.msk [tilespmem:v2+s30+$0x0], $0xffff  }
0x117: {  	v2 =	vld [tilespmem:s20+$0x0]  }
0x118: {  	v19 =	vld [tilespmem:s20+$0xFFFFFFD0]  }
0x119: {  	v20 =	vld [tilespmem:s20+$0xFFFFFF90]  }
0x11a: {  	v54 =	vld [tilespmem:s20+$0xFFFFFFE0]  }
0x11b: {  	v5 =	vmul.u32 $0x3, v5;
	v8 =	vmul.u32 $0x3, v8;
	v9 =	vmul.u32 $0x3, v9;
	v56 =	vld [tilespmem:s26+$0xFFFFFFC0]  }
0x11c: {  	v1 =	vshll.u32 v1, $0x4;
	v4 =	vshll.u32 v4, $0x4;
	v57 =	vld [tilespmem:s26+$0xFFFFFFD0];
	v2 =	vmul.u32 $0x3, v2  }
0x11d: {  	v58 =	vld [tilespmem:s26+$0xFFFFFFE0];
	v1 =	vor.u32 v0, v1;
	v4 =	vor.u32 v0, v4;
	v5 =	vadd.s32 v6, v5  }
0x11e: {  	v60 =	vld [tilespmem:s26+$0xFFFFFFF0];
	v3 =	vmul.u32 $0x3, v3;
	v5 =	vshll.u32 v5, $0x4;
	v2 =	vadd.s32 v16, v2  }
0x11f: {  	v10 =	vmul.u32 $0x3, v10;
	v6 =	vld [tilespmem:s26+$0xFFFFFF90];
	v5 =	vor.u32 v0, v5;
	v2 =	vshll.u32 v2, $0x4  }
0x120: {  	v9 =	vadd.s32 v12, v9;
	v3 =	vadd.s32 v11, v3;
	v11 =	vld [tilespmem:s26+$0xFFFFFFA0];
	v2 =	vor.u32 v0, v2  }
0x121: {  	v10 =	vadd.s32 v13, v10;
	v9 =	vshll.u32 v9, $0x4;
	v7 =	vadd.s32 v7, v8;
	v8 =	vld [tilespmem:s20+$0xFFFFFFF0]  }
0x122: {  	v9 =	vor.u32 v0, v9;
	v7 =	vshll.u32 v7, $0x4;
	v20 =	vmul.u32 $0x3, v20;
	v4 =	vld.idx.msk [tilespmem:v4+s30+$0x0], $0xffff  }
0x123: {  	v15 =	vmul.u32 $0x3, v15;
	v1 =	vld.idx.msk [tilespmem:v1+s30+$0x0], $0xffff;
	v7 =	vor.u32 v0, v7;
	v3 =	vshll.u32 v3, $0x4  }
0x124: {  	v17 =	vmul.u32 $0x3, v17;
	v3 =	vor.u32 v0, v3;
	v6 =	vadd.s32 v6, v20;
	v61 =	vld.idx.msk [tilespmem:v5+s30+$0x0], $0xffff  }
0x125: {  	v11 =	vadd.s32 v11, v15;
	v5 =	vmul.u32 $0x3, v54;
	v21 =	vld.idx.msk [tilespmem:v2+s30+$0x0], $0xffff;
	v2 =	vshll.u32 v10, $0x4  }
0x126: {  	s28 =	simm.s32 $0x12070;
	v55 =	vld [tilespmem:s26+$0xFFFFFFB0];
	v10 =	vmul.u32 $0x3, v18;
	v59 =	vor.u32 v0, v2;
	v2 =	vshll.u32 v6, $0x4  }
0x127: {  	[tilespmem:s28+$0xFFFFFF90] =	vst v4;
	v4 =	vmul.u32 $0x3, v8;
	v6 =	vshll.u32 v11, $0x4;
	v11 =	vor.u32 v0, v2  }
0x128: {  	[tilespmem:s28+$0x0] =	vst v1;
	v1 =	vmul.u32 $0x3, v19;
	v10 =	vadd.s32 v56, v10;
	v62 =	vor.u32 v0, v6;
	v6 =	vld.idx.msk [tilespmem:v7+s30+$0x0], $0xffff  }
0x129: {  	v5 =	vadd.s32 v58, v5;
	v4 =	vadd.s32 v60, v4;
	v7 =	vld.idx.msk [tilespmem:v3+s30+$0x0], $0xffff;
	v8 =	vshll.u32 v10, $0x4  }
0x12a: {  	v5 =	vshll.u32 v5, $0x4;
	v3 =	vadd.s32 v57, v1;
	v1 =	vor.u32 v0, v8;
	v8 =	vld.idx.msk [tilespmem:v9+s30+$0x0], $0xffff  }
0x12b: {  	v12 =	vadd.s32 v55, v17;
	[tilespmem:s28+$0xFFFFFFA0] =	vst v14;
	v63 =	vshll.u32 v4, $0x4;
	v4 =	vor.u32 v0, v5;
	v9 =	vld.idx.msk [tilespmem:v59+s30+$0x0], $0xffff  }
0x12c: {  	s29 =	simm.s32 $0x120F0;
	v5 =	vor.u32 v0, v63;
	[tilespmem:s28+$0xFFFFFFB0] =	vst v61;
	v2 =	vshll.u32 v12, $0x4;
	v3 =	vshll.u32 v3, $0x4;
	v10 =	vld.idx.msk [tilespmem:v11+s30+$0x0], $0xffff  }
0x12d: {  	s31 =	simm.s32 $0x2080;
	s20 =	simm.s32 $0x2170;
	v2 =	vor.u32 v0, v2;
	v3 =	vor.u32 v0, v3;
	[tilespmem:s29+$0x0] =	vst v21;
	v11 =	vld.idx.msk [tilespmem:v62+s30+$0x0], $0xffff  }
.LBB2_6:
0x12e: {  	v12 =	vld [tilespmem:s20+$0x0];
	s31 =	sadd.s32 $0x80, s31;
	[tilespmem:s28+$0xFFFFFFC0] =	vst v6  }
0x12f: {  	s26 =	sadd.s32 $0x80, s26;
	v6 =	vld [tilespmem:s20+$0xFFFFFFA0];
	p0 =	slt.u32 s31, $0x2F80;
	[tilespmem:s28+$0xFFFFFFD0] =	vst v7  }
0x130: {  	v7 =	vld [tilespmem:s26+$0x0];
	[tilespmem:s28+$0xFFFFFFE0] =	vst v8  }
0x131: {  	v8 =	vld [tilespmem:s20+$0xFFFFFFB0];
	[tilespmem:s28+$0xFFFFFFF0] =	vst v9;
	s28 =	smov.u32 s29  }
0x132: {  	v9 =	vld [tilespmem:s20+$0xFFFFFFC0];
	[tilespmem:s29+$0xFFFFFF90] =	vst v10  }
0x133: {  	v10 =	vld [tilespmem:s20+$0xFFFFFFD0];
	v12 =	vmul.u32 $0x3, v12;
	[tilespmem:s29+$0xFFFFFFA0] =	vst v11  }
0x134: {  	v6 =	vmul.u32 $0x3, v6;
	v11 =	vld [tilespmem:s20+$0xFFFFFFE0]  }
0x135: {  	v13 =	vld [tilespmem:s20+$0xFFFFFFF0];
	v7 =	vadd.s32 v7, v12  }
0x136: {  	v12 =	vld [tilespmem:s20+$0xFFFFFF90];
	v8 =	vmul.u32 $0x3, v8;
	v7 =	vshll.u32 v7, $0x4  }
0x137: {  	v14 =	vld [tilespmem:s26+$0xFFFFFF90];
	v9 =	vmul.u32 $0x3, v9;
	v7 =	vor.u32 v0, v7  }
0x138: {  	v15 =	vld [tilespmem:s26+$0xFFFFFFA0];
	v10 =	vmul.u32 $0x3, v10  }
0x139: {  	v16 =	vld [tilespmem:s26+$0xFFFFFFB0];
	v11 =	vmul.u32 $0x3, v11  }
0x13a: {  	v17 =	vld [tilespmem:s26+$0xFFFFFFC0];
	v13 =	vmul.u32 $0x3, v13  }
0x13b: {  	v12 =	vmul.u32 $0x3, v12;
	v18 =	vld [tilespmem:s26+$0xFFFFFFD0]  }
0x13c: {  	v19 =	vld.idx.msk [tilespmem:v7+s30+$0x0], $0xffff  }
0x13d: {  	v7 =	vadd.s32 v14, v12;
	v6 =	vadd.s32 v15, v6;
	v12 =	vld [tilespmem:s26+$0xFFFFFFE0]  }
0x13e: {  	v7 =	vshll.u32 v7, $0x4;
	v6 =	vshll.u32 v6, $0x4;
	v8 =	vadd.s32 v16, v8;
	v14 =	vld [tilespmem:s26+$0xFFFFFFF0]  }
0x13f: {  	v15 =	vor.u32 v0, v7;
	v7 =	vshll.u32 v8, $0x4;
	v8 =	vadd.s32 v17, v9;
	v16 =	vld.idx.msk [tilespmem:v2+s30+$0x0], $0xffff  }
0x140: {  	v17 =	vor.u32 v0, v6;
	v8 =	vshll.u32 v8, $0x4;
	v9 =	vadd.s32 v18, v10;
	v6 =	vld.idx.msk [tilespmem:v1+s30+$0x0], $0xffff  }
.Ltmp2:
0x141: {  	s29 =	sadd.s32 $0x80, s29;
	v2 =	vor.u32 v0, v7;
	v1 =	vor.u32 v0, v8;
	v8 =	vshll.u32 v9, $0x4;
	v7 =	vld.idx.msk [tilespmem:v3+s30+$0x0], $0xffff;
	(pc) =	sbr.rel @p0 .LBB2_6-.Ltmp2, $4  }
0x142: {  	v3 =	vor.u32 v0, v8;
	v9 =	vadd.s32 v12, v11;
	[tilespmem:s29+$0x0] =	vst v19;
	v8 =	vld.idx.msk [tilespmem:v4+s30+$0x0], $0xffff  }
0x143: {  	v4 =	vshll.u32 v9, $0x4;
	v11 =	vadd.s32 v14, v13;
	v9 =	vld.idx.msk [tilespmem:v5+s30+$0x0], $0xffff  }
0x144: {  	v10 =	vld.idx.msk [tilespmem:v15+s30+$0x0], $0xffff;
	v4 =	vor.u32 v0, v4;
	v5 =	vshll.u32 v11, $0x4  }
0x145: {  	s20 =	sadd.s32 $0x80, s20;
	v11 =	vld.idx.msk [tilespmem:v17+s30+$0x0], $0xffff;
	v5 =	vor.u32 v0, v5;
	[tilespmem:s28+$0xFFFFFFB0] =	vst v16  }
0x146: {  	_ =	sdelay $0x2  }
0x147: {  	[tilespmem:s28+$0xFFFFFFC0] =	vst v6  }
0x148: {  	[tilespmem:s28+$0xFFFFFFD0] =	vst v7;
	v2 =	vld.idx.msk [tilespmem:v2+s30+$0x0], $0xffff  }
0x149: {  	v1 =	vld.idx.msk [tilespmem:v1+s30+$0x0], $0xffff;
	[tilespmem:s28+$0xFFFFFFE0] =	vst v8  }
0x14a: {  	v3 =	vld.idx.msk [tilespmem:v3+s30+$0x0], $0xffff;
	[tilespmem:s28+$0xFFFFFFF0] =	vst v9  }
0x14b: {  	v4 =	vld.idx.msk [tilespmem:v4+s30+$0x0], $0xffff;
	[tilespmem:s29+$0xFFFFFF90] =	vst v10  }
0x14c: {  	v5 =	vld.idx.msk [tilespmem:v5+s30+$0x0], $0xffff;
	[tilespmem:s29+$0xFFFFFFA0] =	vst v11  }
0x14d: {  	[tilespmem:s29+$0xFFFFFFB0] =	vst v2  }
0x14e: {  	[tilespmem:s29+$0xFFFFFFC0] =	vst v1  }
0x14f: {  	[tilespmem:s29+$0xFFFFFFD0] =	vst v3  }
0x150: {  	[tilespmem:s29+$0xFFFFFFE0] =	vst v4  }
0x151: {  	[tilespmem:s29+$0xFFFFFFF0] =	vst v5  }
0x152: {  	s26 =	simm.s32 $0x12000;
	s20 =	rddreg [dreg:$0x17]  }
0x153: {  	[hbm4b:s20+s1] =	stream.linear.scatter [tilespmem:s26], [sflag:$0x13], $0x1000, $0x38;
	[tilespmem:$0x18380] =	vst v63  }
0x154: {  	_ =	swait.ge [sflag:s6], $0x1000  }
0x155: {  	[sflag:s6] =	ssyncset.done $0x0  }
0x156: {  	[sflag:s6] =	ssyncadd.s32 $0xFFFFF000  }
0x157: {  	_ =	swait.ge [sflag:s7], $0x1000  }
0x158: {  	[sflag:s7] =	ssyncset.done $0x0  }
0x159: {  	s20 =	simm.s32 $0x3070;
	[sflag:s7] =	ssyncadd.s32 $0xFFFFF000  }
0x15a: {  	v1 =	vld [tilespmem:s20+$0x0]  }
0x15b: {  	s26 =	simm.s32 $0xB070;
	v2 =	vld [tilespmem:s20+$0xFFFFFFA0]  }
0x15c: {  	v3 =	vld [tilespmem:s26+$0x0]  }
0x15d: {  	v4 =	vld [tilespmem:s20+$0xFFFFFF90]  }
0x15e: {  	v5 =	vld [tilespmem:s20+$0xFFFFFFB0]  }
0x15f: {  	v6 =	vld [tilespmem:s26+$0xFFFFFF90]  }
0x160: {  	v7 =	vld [tilespmem:s26+$0xFFFFFFA0]  }
0x161: {  	v8 =	vld [tilespmem:s20+$0xFFFFFFC0]  }
0x162: {  	v9 =	vld [tilespmem:s20+$0xFFFFFFE0]  }
0x163: {  	v10 =	vld [tilespmem:s20+$0xFFFFFFF0]  }
0x164: {  	v11 =	vld [tilespmem:s26+$0xFFFFFFD0]  }
0x165: {  	v12 =	vld [tilespmem:s26+$0xFFFFFFE0];
	v1 =	vmul.u32 $0x3, v1;
	v2 =	vmul.u32 $0x3, v2  }
0x166: {  	v13 =	vld [tilespmem:s26+$0xFFFFFFF0];
	v4 =	vmul.u32 $0x3, v4  }
0x167: {  	v1 =	vadd.s32 v3, v1;
	v3 =	vld [tilespmem:s20+$0xFFFFFFD0];
	v2 =	vadd.s32 v7, v2  }
0x168: {  	v4 =	vadd.s32 v6, v4;
	v6 =	vld [tilespmem:s26+$0xFFFFFFB0];
	v2 =	vshll.u32 v2, $0x4  }
0x169: {  	v7 =	vld [tilespmem:s26+$0xFFFFFFC0];
	s20 =	simm.s32 $0x30F0;
	v2 =	vor.u32 v0, v2  }
0x16a: {  	s26 =	simm.s32 $0xB0F0;
	v15 =	vld [tilespmem:s20+$0xFFFFFFA0]  }
0x16b: {  	v16 =	vld [tilespmem:s26+$0x0]  }
0x16c: {  	v17 =	vld [tilespmem:s20+$0xFFFFFFB0]  }
0x16d: {  	v18 =	vld [tilespmem:s20+$0xFFFFFFC0]  }
0x16e: {  	v14 =	vld.idx.msk [tilespmem:v2+s30+$0x0], $0xffff  }
0x16f: {  	v2 =	vld [tilespmem:s20+$0x0]  }
0x170: {  	v19 =	vld [tilespmem:s20+$0xFFFFFFD0]  }
0x171: {  	v20 =	vld [tilespmem:s20+$0xFFFFFF90]  }
0x172: {  	v54 =	vld [tilespmem:s20+$0xFFFFFFE0]  }
0x173: {  	v5 =	vmul.u32 $0x3, v5;
	v8 =	vmul.u32 $0x3, v8;
	v9 =	vmul.u32 $0x3, v9;
	v56 =	vld [tilespmem:s26+$0xFFFFFFC0]  }
0x174: {  	v1 =	vshll.u32 v1, $0x4;
	v4 =	vshll.u32 v4, $0x4;
	v57 =	vld [tilespmem:s26+$0xFFFFFFD0];
	v2 =	vmul.u32 $0x3, v2  }
0x175: {  	v58 =	vld [tilespmem:s26+$0xFFFFFFE0];
	v1 =	vor.u32 v0, v1;
	v4 =	vor.u32 v0, v4;
	v5 =	vadd.s32 v6, v5  }
0x176: {  	v60 =	vld [tilespmem:s26+$0xFFFFFFF0];
	v3 =	vmul.u32 $0x3, v3;
	v5 =	vshll.u32 v5, $0x4;
	v2 =	vadd.s32 v16, v2  }
0x177: {  	v10 =	vmul.u32 $0x3, v10;
	v6 =	vld [tilespmem:s26+$0xFFFFFF90];
	v5 =	vor.u32 v0, v5;
	v2 =	vshll.u32 v2, $0x4  }
0x178: {  	v9 =	vadd.s32 v12, v9;
	v3 =	vadd.s32 v11, v3;
	v11 =	vld [tilespmem:s26+$0xFFFFFFA0];
	v2 =	vor.u32 v0, v2  }
0x179: {  	v10 =	vadd.s32 v13, v10;
	v9 =	vshll.u32 v9, $0x4;
	v7 =	vadd.s32 v7, v8;
	v8 =	vld [tilespmem:s20+$0xFFFFFFF0]  }
0x17a: {  	v9 =	vor.u32 v0, v9;
	v7 =	vshll.u32 v7, $0x4;
	v20 =	vmul.u32 $0x3, v20;
	v4 =	vld.idx.msk [tilespmem:v4+s30+$0x0], $0xffff  }
0x17b: {  	v15 =	vmul.u32 $0x3, v15;
	v1 =	vld.idx.msk [tilespmem:v1+s30+$0x0], $0xffff;
	v7 =	vor.u32 v0, v7;
	v3 =	vshll.u32 v3, $0x4  }
0x17c: {  	v17 =	vmul.u32 $0x3, v17;
	v3 =	vor.u32 v0, v3;
	v6 =	vadd.s32 v6, v20;
	v61 =	vld.idx.msk [tilespmem:v5+s30+$0x0], $0xffff  }
0x17d: {  	v11 =	vadd.s32 v11, v15;
	v5 =	vmul.u32 $0x3, v54;
	v21 =	vld.idx.msk [tilespmem:v2+s30+$0x0], $0xffff;
	v2 =	vshll.u32 v10, $0x4  }
0x17e: {  	s28 =	simm.s32 $0x13070;
	v55 =	vld [tilespmem:s26+$0xFFFFFFB0];
	v10 =	vmul.u32 $0x3, v18;
	v59 =	vor.u32 v0, v2;
	v2 =	vshll.u32 v6, $0x4  }
0x17f: {  	[tilespmem:s28+$0xFFFFFF90] =	vst v4;
	v4 =	vmul.u32 $0x3, v8;
	v6 =	vshll.u32 v11, $0x4;
	v11 =	vor.u32 v0, v2  }
0x180: {  	[tilespmem:s28+$0x0] =	vst v1;
	v1 =	vmul.u32 $0x3, v19;
	v10 =	vadd.s32 v56, v10;
	v62 =	vor.u32 v0, v6;
	v6 =	vld.idx.msk [tilespmem:v7+s30+$0x0], $0xffff  }
0x181: {  	v5 =	vadd.s32 v58, v5;
	v4 =	vadd.s32 v60, v4;
	v7 =	vld.idx.msk [tilespmem:v3+s30+$0x0], $0xffff;
	v8 =	vshll.u32 v10, $0x4  }
0x182: {  	v5 =	vshll.u32 v5, $0x4;
	v3 =	vadd.s32 v57, v1;
	v1 =	vor.u32 v0, v8;
	v8 =	vld.idx.msk [tilespmem:v9+s30+$0x0], $0xffff  }
0x183: {  	v12 =	vadd.s32 v55, v17;
	[tilespmem:s28+$0xFFFFFFA0] =	vst v14;
	v63 =	vshll.u32 v4, $0x4;
	v4 =	vor.u32 v0, v5;
	v9 =	vld.idx.msk [tilespmem:v59+s30+$0x0], $0xffff  }
0x184: {  	s29 =	simm.s32 $0x130F0;
	v5 =	vor.u32 v0, v63;
	[tilespmem:s28+$0xFFFFFFB0] =	vst v61;
	v2 =	vshll.u32 v12, $0x4;
	v3 =	vshll.u32 v3, $0x4;
	v10 =	vld.idx.msk [tilespmem:v11+s30+$0x0], $0xffff  }
0x185: {  	s31 =	simm.s32 $0x3080;
	s20 =	simm.s32 $0x3170;
	v2 =	vor.u32 v0, v2;
	v3 =	vor.u32 v0, v3;
	[tilespmem:s29+$0x0] =	vst v21;
	v11 =	vld.idx.msk [tilespmem:v62+s30+$0x0], $0xffff  }
.LBB2_8:
0x186: {  	v12 =	vld [tilespmem:s20+$0x0];
	s31 =	sadd.s32 $0x80, s31;
	[tilespmem:s28+$0xFFFFFFC0] =	vst v6  }
0x187: {  	s26 =	sadd.s32 $0x80, s26;
	v6 =	vld [tilespmem:s20+$0xFFFFFFA0];
	p0 =	slt.u32 s31, $0x3F80;
	[tilespmem:s28+$0xFFFFFFD0] =	vst v7  }
0x188: {  	v7 =	vld [tilespmem:s26+$0x0];
	[tilespmem:s28+$0xFFFFFFE0] =	vst v8  }
0x189: {  	v8 =	vld [tilespmem:s20+$0xFFFFFFB0];
	[tilespmem:s28+$0xFFFFFFF0] =	vst v9;
	s28 =	smov.u32 s29  }
0x18a: {  	v9 =	vld [tilespmem:s20+$0xFFFFFFC0];
	[tilespmem:s29+$0xFFFFFF90] =	vst v10  }
0x18b: {  	v10 =	vld [tilespmem:s20+$0xFFFFFFD0];
	v12 =	vmul.u32 $0x3, v12;
	[tilespmem:s29+$0xFFFFFFA0] =	vst v11  }
0x18c: {  	v6 =	vmul.u32 $0x3, v6;
	v11 =	vld [tilespmem:s20+$0xFFFFFFE0]  }
0x18d: {  	v13 =	vld [tilespmem:s20+$0xFFFFFFF0];
	v7 =	vadd.s32 v7, v12  }
0x18e: {  	v12 =	vld [tilespmem:s20+$0xFFFFFF90];
	v8 =	vmul.u32 $0x3, v8;
	v7 =	vshll.u32 v7, $0x4  }
0x18f: {  	v14 =	vld [tilespmem:s26+$0xFFFFFF90];
	v9 =	vmul.u32 $0x3, v9;
	v7 =	vor.u32 v0, v7  }
0x190: {  	v15 =	vld [tilespmem:s26+$0xFFFFFFA0];
	v10 =	vmul.u32 $0x3, v10  }
0x191: {  	v16 =	vld [tilespmem:s26+$0xFFFFFFB0];
	v11 =	vmul.u32 $0x3, v11  }
0x192: {  	v17 =	vld [tilespmem:s26+$0xFFFFFFC0];
	v13 =	vmul.u32 $0x3, v13  }
0x193: {  	v12 =	vmul.u32 $0x3, v12;
	v18 =	vld [tilespmem:s26+$0xFFFFFFD0]  }
0x194: {  	v19 =	vld.idx.msk [tilespmem:v7+s30+$0x0], $0xffff  }
0x195: {  	v7 =	vadd.s32 v14, v12;
	v6 =	vadd.s32 v15, v6;
	v12 =	vld [tilespmem:s26+$0xFFFFFFE0]  }
0x196: {  	v7 =	vshll.u32 v7, $0x4;
	v6 =	vshll.u32 v6, $0x4;
	v8 =	vadd.s32 v16, v8;
	v14 =	vld [tilespmem:s26+$0xFFFFFFF0]  }
0x197: {  	v15 =	vor.u32 v0, v7;
	v7 =	vshll.u32 v8, $0x4;
	v8 =	vadd.s32 v17, v9;
	v16 =	vld.idx.msk [tilespmem:v2+s30+$0x0], $0xffff  }
0x198: {  	v17 =	vor.u32 v0, v6;
	v8 =	vshll.u32 v8, $0x4;
	v9 =	vadd.s32 v18, v10;
	v6 =	vld.idx.msk [tilespmem:v1+s30+$0x0], $0xffff  }
.Ltmp3:
0x199: {  	s29 =	sadd.s32 $0x80, s29;
	v2 =	vor.u32 v0, v7;
	v1 =	vor.u32 v0, v8;
	v8 =	vshll.u32 v9, $0x4;
	v7 =	vld.idx.msk [tilespmem:v3+s30+$0x0], $0xffff;
	(pc) =	sbr.rel @p0 .LBB2_8-.Ltmp3, $4  }
0x19a: {  	v3 =	vor.u32 v0, v8;
	v9 =	vadd.s32 v12, v11;
	[tilespmem:s29+$0x0] =	vst v19;
	v8 =	vld.idx.msk [tilespmem:v4+s30+$0x0], $0xffff  }
0x19b: {  	v4 =	vshll.u32 v9, $0x4;
	v11 =	vadd.s32 v14, v13;
	v9 =	vld.idx.msk [tilespmem:v5+s30+$0x0], $0xffff  }
0x19c: {  	v10 =	vld.idx.msk [tilespmem:v15+s30+$0x0], $0xffff;
	v4 =	vor.u32 v0, v4;
	v5 =	vshll.u32 v11, $0x4  }
0x19d: {  	s20 =	sadd.s32 $0x80, s20;
	v11 =	vld.idx.msk [tilespmem:v17+s30+$0x0], $0xffff;
	v5 =	vor.u32 v0, v5;
	[tilespmem:s28+$0xFFFFFFB0] =	vst v16  }
0x19e: {  	_ =	sdelay $0x2  }
0x19f: {  	[tilespmem:s28+$0xFFFFFFC0] =	vst v6  }
0x1a0: {  	[tilespmem:s28+$0xFFFFFFD0] =	vst v7;
	v2 =	vld.idx.msk [tilespmem:v2+s30+$0x0], $0xffff  }
0x1a1: {  	v1 =	vld.idx.msk [tilespmem:v1+s30+$0x0], $0xffff;
	[tilespmem:s28+$0xFFFFFFE0] =	vst v8  }
0x1a2: {  	v3 =	vld.idx.msk [tilespmem:v3+s30+$0x0], $0xffff;
	[tilespmem:s28+$0xFFFFFFF0] =	vst v9  }
0x1a3: {  	v4 =	vld.idx.msk [tilespmem:v4+s30+$0x0], $0xffff;
	[tilespmem:s29+$0xFFFFFF90] =	vst v10  }
0x1a4: {  	v5 =	vld.idx.msk [tilespmem:v5+s30+$0x0], $0xffff;
	[tilespmem:s29+$0xFFFFFFA0] =	vst v11  }
0x1a5: {  	[tilespmem:s29+$0xFFFFFFB0] =	vst v2  }
0x1a6: {  	[tilespmem:s29+$0xFFFFFFC0] =	vst v1  }
0x1a7: {  	[tilespmem:s29+$0xFFFFFFD0] =	vst v3  }
0x1a8: {  	[tilespmem:s29+$0xFFFFFFE0] =	vst v4  }
0x1a9: {  	[tilespmem:s29+$0xFFFFFFF0] =	vst v5  }
0x1aa: {  	s20 =	simm.s32 $0x0;
	s28 =	simm.s32 $0x13000;
	s26 =	rddreg [dreg:$0x18]  }
0x1ab: {  	[hbm4b:s26+s20] =	stream.linear.scatter [tilespmem:s28], [sflag:$0x14], $0x1000, $0x38;
	[tilespmem:$0x18380] =	vst v63  }
0x1ac: {  	_ =	swait.ge [sflag:s8], $0x1000  }
0x1ad: {  	[sflag:s8] =	ssyncset.done $0x0  }
0x1ae: {  	[sflag:s8] =	ssyncadd.s32 $0xFFFFF000  }
0x1af: {  	_ =	swait.ge [sflag:s9], $0x1000  }
0x1b0: {  	[sflag:s9] =	ssyncset.done $0x0  }
0x1b1: {  	s26 =	simm.s32 $0x0;
	[sflag:s9] =	ssyncadd.s32 $0xFFFFF000  }
0x1b2: {  	v1 =	vld [tilespmem:s26+$0x4070]  }
0x1b3: {  	v2 =	vld [tilespmem:s26+$0x4000]  }
0x1b4: {  	v3 =	vld [tilespmem:s26+$0xC070]  }
0x1b5: {  	v4 =	vld [tilespmem:s26+$0x4010]  }
0x1b6: {  	v5 =	vld [tilespmem:s26+$0x4020]  }
0x1b7: {  	v6 =	vld [tilespmem:s26+$0xC000]  }
0x1b8: {  	v7 =	vld [tilespmem:s26+$0xC010]  }
0x1b9: {  	v8 =	vld [tilespmem:s26+$0x4030]  }
0x1ba: {  	v9 =	vld [tilespmem:s26+$0x4040]  }
0x1bb: {  	v10 =	vld [tilespmem:s26+$0x4050]  }
0x1bc: {  	v11 =	vld [tilespmem:s26+$0xC050]  }
0x1bd: {  	s28 =	simm.s32 $0x80;
	v12 =	vld [tilespmem:s26+$0xC060]  }
0x1be: {  	v14 =	vld [tilespmem:s28+$0x4000];
	v4 =	vmul.u32 $0x3, v4  }
0x1bf: {  	v15 =	vld [tilespmem:s28+$0xC070]  }
0x1c0: {  	v16 =	vld [tilespmem:s28+$0x4010];
	v4 =	vadd.s32 v7, v4  }
0x1c1: {  	v17 =	vld [tilespmem:s28+$0x4020];
	v4 =	vshll.u32 v4, $0x4  }
0x1c2: {  	v18 =	vld [tilespmem:s28+$0x4030];
	v4 =	vor.u32 v0, v4  }
0x1c3: {  	v19 =	vld [tilespmem:s28+$0x4040];
	v1 =	vmul.u32 $0x3, v1  }
0x1c4: {  	v20 =	vld [tilespmem:s28+$0x4050]  }
0x1c5: {  	v1 =	vadd.s32 v3, v1;
	v3 =	vld [tilespmem:s26+$0xC020]  }
0x1c6: {  	v7 =	vld [tilespmem:s26+$0xC030]  }
0x1c7: {  	v13 =	vld.idx.msk [tilespmem:v4+s30+$0x0], $0xffff  }
0x1c8: {  	v2 =	vmul.u32 $0x3, v2;
	v4 =	vld [tilespmem:s28+$0x4070]  }
0x1c9: {  	v56 =	vld [tilespmem:s28+$0x4060];
	v5 =	vmul.u32 $0x3, v5  }
0x1ca: {  	v8 =	vmul.u32 $0x3, v8;
	v10 =	vmul.u32 $0x3, v10;
	v2 =	vadd.s32 v6, v2;
	v6 =	vld [tilespmem:s26+$0x4060]  }
0x1cb: {  	v9 =	vmul.u32 $0x3, v9;
	v1 =	vshll.u32 v1, $0x4;
	v3 =	vadd.s32 v3, v5;
	v5 =	vld [tilespmem:s26+$0xC040]  }
0x1cc: {  	v57 =	vld [tilespmem:s28+$0xC020];
	v10 =	vadd.s32 v11, v10;
	v2 =	vshll.u32 v2, $0x4;
	v1 =	vor.u32 v0, v1  }
0x1cd: {  	v2 =	vor.u32 v0, v2;
	v7 =	vadd.s32 v7, v8;
	v8 =	vld [tilespmem:s28+$0xC000];
	v4 =	vmul.u32 $0x3, v4  }
0x1ce: {  	v58 =	vld [tilespmem:s28+$0xC030];
	v16 =	vmul.u32 $0x3, v16;
	v11 =	vmul.u32 $0x3, v14;
	v10 =	vshll.u32 v10, $0x4  }
0x1cf: {  	v60 =	vld [tilespmem:s28+$0xC050];
	v6 =	vmul.u32 $0x3, v6;
	v3 =	vshll.u32 v3, $0x4;
	v4 =	vadd.s32 v15, v4  }
0x1d0: {  	v3 =	vor.u32 v0, v3;
	v5 =	vadd.s32 v5, v9;
	v9 =	vld [tilespmem:s28+$0xC010];
	v4 =	vshll.u32 v4, $0x4  }
0x1d1: {  	v7 =	vshll.u32 v7, $0x4;
	v1 =	vld.idx.msk [tilespmem:v1+s30+$0x0], $0xffff;
	v5 =	vshll.u32 v5, $0x4;
	v4 =	vor.u32 v0, v4  }
0x1d2: {  	v2 =	vld.idx.msk [tilespmem:v2+s30+$0x0], $0xffff;
	v6 =	vadd.s32 v12, v6;
	v8 =	vadd.s32 v8, v11;
	v5 =	vor.u32 v0, v5  }
0x1d3: {  	v61 =	vld [tilespmem:s28+$0xC060];
	v7 =	vor.u32 v0, v7;
	v6 =	vshll.u32 v6, $0x4;
	v8 =	vshll.u32 v8, $0x4  }
0x1d4: {  	v21 =	vor.u32 v0, v6;
	v6 =	vmul.u32 $0x3, v17;
	v11 =	vld [tilespmem:s28+$0xC040];
	v8 =	vor.u32 v0, v8  }
0x1d5: {  	v63 =	vmul.u32 $0x3, v56;
	v10 =	vor.u32 v0, v10;
	v3 =	vld.idx.msk [tilespmem:v3+s30+$0x0], $0xffff;
	v9 =	vadd.s32 v9, v16  }
0x1d6: {  	v6 =	vadd.s32 v57, v6;
	[tilespmem:s26+$0x14070] =	vst v1;
	v1 =	vshll.u32 v9, $0x4;
	v59 =	vld.idx.msk [tilespmem:v4+s30+$0x0], $0xffff;
	v4 =	vmul.u32 $0x3, v18  }
0x1d7: {  	[tilespmem:s26+$0x14000] =	vst v2;
	v2 =	vmul.u32 $0x3, v20;
	v6 =	vshll.u32 v6, $0x4;
	v62 =	vor.u32 v0, v1;
	v5 =	vld.idx.msk [tilespmem:v5+s30+$0x0], $0xffff  }
0x1d8: {  	v1 =	vmul.u32 $0x3, v19;
	v9 =	vadd.s32 v58, v4;
	v4 =	vld.idx.msk [tilespmem:v7+s30+$0x0], $0xffff;
	v7 =	vor.u32 v0, v6  }
0x1d9: {  	[tilespmem:s26+$0x14010] =	vst v13;
	v13 =	vadd.s32 v61, v63;
	v8 =	vld.idx.msk [tilespmem:v8+s30+$0x0], $0xffff  }
0x1da: {  	v2 =	vadd.s32 v60, v2;
	v6 =	vld.idx.msk [tilespmem:v10+s30+$0x0], $0xffff;
	v10 =	vadd.s32 v11, v1;
	v9 =	vshll.u32 v9, $0x4  }
0x1db: {  	[tilespmem:s26+$0x14020] =	vst v3;
	v11 =	vshll.u32 v2, $0x4;
	v3 =	vshll.u32 v10, $0x4;
	v1 =	vor.u32 v0, v9;
	v9 =	vld.idx.msk [tilespmem:v21+s30+$0x0], $0xffff  }
0x1dc: {  	s29 =	simm.s32 $0x4080;
	s20 =	simm.s32 $0x400;
	v10 =	vld.idx.msk [tilespmem:v62+s30+$0x0], $0xffff;
	v2 =	vor.u32 v0, v3;
	v3 =	vor.u32 v0, v11;
	v11 =	vshll.u32 v13, $0x4;
	[tilespmem:s28+$0x14070] =	vst v59  }
.LBB2_10:
0x1dd: {  	s31 =	sshra.s32 s20, $0x2;
	s29 =	sadd.s32 $0x80, s29;
	v7 =	vld.idx.msk [tilespmem:v7+s30+$0x0], $0xffff;
	v11 =	vor.u32 v0, v11;
	[tilespmem:s26+$0x14030] =	vst v4  }
0x1de: {  	v4 =	vld [tilespmem:s31+$0x4070];
	p0 =	slt.u32 s29, $0x4F80;
	[tilespmem:s26+$0x14040] =	vst v5  }
0x1df: {  	v5 =	vld [tilespmem:s31+$0x4000];
	[tilespmem:s26+$0x14050] =	vst v6  }
0x1e0: {  	v6 =	vld [tilespmem:s31+$0xC070];
	[tilespmem:s26+$0x14060] =	vst v9;
	s26 =	smov.u32 s28;
	s28 =	smov.u32 s31  }
0x1e1: {  	v9 =	vld [tilespmem:s28+$0x4010];
	[tilespmem:s26+$0x14000] =	vst v8  }
0x1e2: {  	v8 =	vld [tilespmem:s28+$0x4020];
	[tilespmem:s26+$0x14010] =	vst v10  }
0x1e3: {  	v10 =	vld [tilespmem:s28+$0x4030];
	v4 =	vmul.u32 $0x3, v4;
	[tilespmem:s26+$0x14020] =	vst v7  }
0x1e4: {  	v5 =	vmul.u32 $0x3, v5;
	v7 =	vld [tilespmem:s28+$0x4040]  }
0x1e5: {  	v12 =	vld [tilespmem:s28+$0x4050];
	v4 =	vadd.s32 v6, v4  }
0x1e6: {  	v6 =	vmul.u32 $0x3, v9;
	v9 =	vld [tilespmem:s28+$0x4060];
	v4 =	vshll.u32 v4, $0x4  }
0x1e7: {  	v13 =	vld [tilespmem:s28+$0xC000];
	v8 =	vmul.u32 $0x3, v8;
	v4 =	vor.u32 v0, v4  }
0x1e8: {  	v14 =	vld [tilespmem:s28+$0xC010];
	v10 =	vmul.u32 $0x3, v10  }
0x1e9: {  	v15 =	vld [tilespmem:s28+$0xC020];
	v16 =	vmul.u32 $0x3, v7  }
0x1ea: {  	v7 =	vld [tilespmem:s28+$0xC030];
	v12 =	vmul.u32 $0x3, v12  }
0x1eb: {  	v17 =	vld [tilespmem:s28+$0xC040];
	v18 =	vmul.u32 $0x3, v9  }
0x1ec: {  	v5 =	vadd.s32 v13, v5;
	v9 =	vld.idx.msk [tilespmem:v4+s30+$0x0], $0xffff  }
0x1ed: {  	v4 =	vshll.u32 v5, $0x4;
	v5 =	vadd.s32 v14, v6;
	v13 =	vld [tilespmem:s28+$0xC050]  }
0x1ee: {  	v14 =	vor.u32 v0, v4;
	v4 =	vshll.u32 v5, $0x4;
	v5 =	vadd.s32 v15, v8;
	v15 =	vld [tilespmem:s28+$0xC060]  }
0x1ef: {  	v19 =	vor.u32 v0, v4;
	v5 =	vshll.u32 v5, $0x4;
	v6 =	vadd.s32 v7, v10;
	v4 =	vld.idx.msk [tilespmem:v1+s30+$0x0], $0xffff  }
.Ltmp4:
0x1f0: {  	v7 =	vor.u32 v0, v5;
	v1 =	vshll.u32 v6, $0x4;
	v6 =	vadd.s32 v17, v16;
	v5 =	vld.idx.msk [tilespmem:v2+s30+$0x0], $0xffff;
	(pc) =	sbr.rel @p0 .LBB2_10-.Ltmp4, $4  }
0x1f1: {  	v1 =	vor.u32 v0, v1;
	v2 =	vshll.u32 v6, $0x4;
	v6 =	vld.idx.msk [tilespmem:v3+s30+$0x0], $0xffff  }
0x1f2: {  	v2 =	vor.u32 v0, v2;
	v3 =	vadd.s32 v13, v12;
	[tilespmem:s28+$0x14070] =	vst v9;
	v9 =	vld.idx.msk [tilespmem:v11+s30+$0x0], $0xffff  }
0x1f3: {  	v8 =	vld.idx.msk [tilespmem:v14+s30+$0x0], $0xffff;
	v3 =	vshll.u32 v3, $0x4;
	v11 =	vadd.s32 v15, v18  }
0x1f4: {  	s20 =	sadd.s32 $0x200, s20;
	v10 =	vld.idx.msk [tilespmem:v19+s30+$0x0], $0xffff;
	v3 =	vor.u32 v0, v3;
	v11 =	vshll.u32 v11, $0x4  }
0x1f5: {  	_ =	sdelay $0x2  }
0x1f6: {  	v11 =	vor.u32 v0, v11;
	[tilespmem:s26+$0x14030] =	vst v4  }
0x1f7: {  	v4 =	vld.idx.msk [tilespmem:v7+s30+$0x0], $0xffff;
	[tilespmem:s26+$0x14040] =	vst v5  }
0x1f8: {  	v1 =	vld.idx.msk [tilespmem:v1+s30+$0x0], $0xffff;
	[tilespmem:s26+$0x14050] =	vst v6  }
0x1f9: {  	v2 =	vld.idx.msk [tilespmem:v2+s30+$0x0], $0xffff;
	[tilespmem:s26+$0x14060] =	vst v9  }
0x1fa: {  	v3 =	vld.idx.msk [tilespmem:v3+s30+$0x0], $0xffff;
	[tilespmem:s28+$0x14000] =	vst v8  }
0x1fb: {  	[tilespmem:s28+$0x14010] =	vst v10;
	v5 =	vld.idx.msk [tilespmem:v11+s30+$0x0], $0xffff  }
0x1fc: {  	[tilespmem:s28+$0x14020] =	vst v4  }
0x1fd: {  	[tilespmem:s28+$0x14030] =	vst v1  }
0x1fe: {  	[tilespmem:s28+$0x14040] =	vst v2  }
0x1ff: {  	[tilespmem:s28+$0x14050] =	vst v3  }
0x200: {  	[tilespmem:s28+$0x14060] =	vst v5  }
0x201: {  	s20 =	simm.s32 $0x0;
	s28 =	simm.s32 $0x14000;
	s26 =	rddreg [dreg:$0x19]  }
0x202: {  	[hbm4b:s26+s20] =	stream.linear.scatter [tilespmem:s28], [sflag:$0x15], $0x1000, $0x38;
	[tilespmem:$0x18380] =	vst v63  }
0x203: {  	_ =	swait.ge [sflag:s10], $0x1000  }
0x204: {  	[sflag:s10] =	ssyncset.done $0x0  }
0x205: {  	[sflag:s10] =	ssyncadd.s32 $0xFFFFF000  }
0x206: {  	_ =	swait.ge [sflag:s11], $0x1000  }
0x207: {  	[sflag:s11] =	ssyncset.done $0x0  }
0x208: {  	s26 =	simm.s32 $0x0;
	[sflag:s11] =	ssyncadd.s32 $0xFFFFF000  }
0x209: {  	v1 =	vld [tilespmem:s26+$0x5070]  }
0x20a: {  	v2 =	vld [tilespmem:s26+$0x5000]  }
0x20b: {  	v3 =	vld [tilespmem:s26+$0xD070]  }
0x20c: {  	v4 =	vld [tilespmem:s26+$0x5010]  }
0x20d: {  	v5 =	vld [tilespmem:s26+$0x5020]  }
0x20e: {  	v6 =	vld [tilespmem:s26+$0xD000]  }
0x20f: {  	v7 =	vld [tilespmem:s26+$0xD010]  }
0x210: {  	v8 =	vld [tilespmem:s26+$0x5030]  }
0x211: {  	v9 =	vld [tilespmem:s26+$0x5040]  }
0x212: {  	v10 =	vld [tilespmem:s26+$0x5050]  }
0x213: {  	v11 =	vld [tilespmem:s26+$0xD050]  }
0x214: {  	s28 =	simm.s32 $0x80;
	v12 =	vld [tilespmem:s26+$0xD060]  }
0x215: {  	v14 =	vld [tilespmem:s28+$0x5000];
	v4 =	vmul.u32 $0x3, v4  }
0x216: {  	v15 =	vld [tilespmem:s28+$0xD070]  }
0x217: {  	v16 =	vld [tilespmem:s28+$0x5010];
	v4 =	vadd.s32 v7, v4  }
0x218: {  	v17 =	vld [tilespmem:s28+$0x5020];
	v4 =	vshll.u32 v4, $0x4  }
0x219: {  	v18 =	vld [tilespmem:s28+$0x5030];
	v4 =	vor.u32 v0, v4  }
0x21a: {  	v19 =	vld [tilespmem:s28+$0x5040];
	v1 =	vmul.u32 $0x3, v1  }
0x21b: {  	v20 =	vld [tilespmem:s28+$0x5050]  }
0x21c: {  	v1 =	vadd.s32 v3, v1;
	v3 =	vld [tilespmem:s26+$0xD020]  }
0x21d: {  	v7 =	vld [tilespmem:s26+$0xD030]  }
0x21e: {  	v13 =	vld.idx.msk [tilespmem:v4+s30+$0x0], $0xffff  }
0x21f: {  	v2 =	vmul.u32 $0x3, v2;
	v4 =	vld [tilespmem:s28+$0x5070]  }
0x220: {  	v56 =	vld [tilespmem:s28+$0x5060];
	v5 =	vmul.u32 $0x3, v5  }
0x221: {  	v8 =	vmul.u32 $0x3, v8;
	v10 =	vmul.u32 $0x3, v10;
	v2 =	vadd.s32 v6, v2;
	v6 =	vld [tilespmem:s26+$0x5060]  }
0x222: {  	v9 =	vmul.u32 $0x3, v9;
	v1 =	vshll.u32 v1, $0x4;
	v3 =	vadd.s32 v3, v5;
	v5 =	vld [tilespmem:s26+$0xD040]  }
0x223: {  	v57 =	vld [tilespmem:s28+$0xD020];
	v10 =	vadd.s32 v11, v10;
	v2 =	vshll.u32 v2, $0x4;
	v1 =	vor.u32 v0, v1  }
0x224: {  	v2 =	vor.u32 v0, v2;
	v7 =	vadd.s32 v7, v8;
	v8 =	vld [tilespmem:s28+$0xD000];
	v4 =	vmul.u32 $0x3, v4  }
0x225: {  	v58 =	vld [tilespmem:s28+$0xD030];
	v16 =	vmul.u32 $0x3, v16;
	v11 =	vmul.u32 $0x3, v14;
	v10 =	vshll.u32 v10, $0x4  }
0x226: {  	v60 =	vld [tilespmem:s28+$0xD050];
	v6 =	vmul.u32 $0x3, v6;
	v3 =	vshll.u32 v3, $0x4;
	v4 =	vadd.s32 v15, v4  }
0x227: {  	v3 =	vor.u32 v0, v3;
	v5 =	vadd.s32 v5, v9;
	v9 =	vld [tilespmem:s28+$0xD010];
	v4 =	vshll.u32 v4, $0x4  }
0x228: {  	v7 =	vshll.u32 v7, $0x4;
	v1 =	vld.idx.msk [tilespmem:v1+s30+$0x0], $0xffff;
	v5 =	vshll.u32 v5, $0x4;
	v4 =	vor.u32 v0, v4  }
0x229: {  	v2 =	vld.idx.msk [tilespmem:v2+s30+$0x0], $0xffff;
	v6 =	vadd.s32 v12, v6;
	v8 =	vadd.s32 v8, v11;
	v5 =	vor.u32 v0, v5  }
0x22a: {  	v61 =	vld [tilespmem:s28+$0xD060];
	v7 =	vor.u32 v0, v7;
	v6 =	vshll.u32 v6, $0x4;
	v8 =	vshll.u32 v8, $0x4  }
0x22b: {  	v21 =	vor.u32 v0, v6;
	v6 =	vmul.u32 $0x3, v17;
	v11 =	vld [tilespmem:s28+$0xD040];
	v8 =	vor.u32 v0, v8  }
0x22c: {  	v63 =	vmul.u32 $0x3, v56;
	v10 =	vor.u32 v0, v10;
	v3 =	vld.idx.msk [tilespmem:v3+s30+$0x0], $0xffff;
	v9 =	vadd.s32 v9, v16  }
0x22d: {  	v6 =	vadd.s32 v57, v6;
	[tilespmem:s26+$0x15070] =	vst v1;
	v1 =	vshll.u32 v9, $0x4;
	v59 =	vld.idx.msk [tilespmem:v4+s30+$0x0], $0xffff;
	v4 =	vmul.u32 $0x3, v18  }
0x22e: {  	[tilespmem:s26+$0x15000] =	vst v2;
	v2 =	vmul.u32 $0x3, v20;
	v6 =	vshll.u32 v6, $0x4;
	v62 =	vor.u32 v0, v1;
	v5 =	vld.idx.msk [tilespmem:v5+s30+$0x0], $0xffff  }
0x22f: {  	v1 =	vmul.u32 $0x3, v19;
	v9 =	vadd.s32 v58, v4;
	v4 =	vld.idx.msk [tilespmem:v7+s30+$0x0], $0xffff;
	v7 =	vor.u32 v0, v6  }
0x230: {  	[tilespmem:s26+$0x15010] =	vst v13;
	v13 =	vadd.s32 v61, v63;
	v8 =	vld.idx.msk [tilespmem:v8+s30+$0x0], $0xffff  }
0x231: {  	v2 =	vadd.s32 v60, v2;
	v6 =	vld.idx.msk [tilespmem:v10+s30+$0x0], $0xffff;
	v10 =	vadd.s32 v11, v1;
	v9 =	vshll.u32 v9, $0x4  }
0x232: {  	[tilespmem:s26+$0x15020] =	vst v3;
	v11 =	vshll.u32 v2, $0x4;
	v3 =	vshll.u32 v10, $0x4;
	v1 =	vor.u32 v0, v9;
	v9 =	vld.idx.msk [tilespmem:v21+s30+$0x0], $0xffff  }
0x233: {  	s29 =	simm.s32 $0x5080;
	s20 =	simm.s32 $0x400;
	v10 =	vld.idx.msk [tilespmem:v62+s30+$0x0], $0xffff;
	v2 =	vor.u32 v0, v3;
	v3 =	vor.u32 v0, v11;
	v11 =	vshll.u32 v13, $0x4;
	[tilespmem:s28+$0x15070] =	vst v59  }
.LBB2_12:
0x234: {  	s31 =	sshra.s32 s20, $0x2;
	s29 =	sadd.s32 $0x80, s29;
	v7 =	vld.idx.msk [tilespmem:v7+s30+$0x0], $0xffff;
	v11 =	vor.u32 v0, v11;
	[tilespmem:s26+$0x15030] =	vst v4  }
0x235: {  	v4 =	vld [tilespmem:s31+$0x5070];
	p0 =	slt.u32 s29, $0x5F80;
	[tilespmem:s26+$0x15040] =	vst v5  }
0x236: {  	v5 =	vld [tilespmem:s31+$0x5000];
	[tilespmem:s26+$0x15050] =	vst v6  }
0x237: {  	v6 =	vld [tilespmem:s31+$0xD070];
	[tilespmem:s26+$0x15060] =	vst v9;
	s26 =	smov.u32 s28;
	s28 =	smov.u32 s31  }
0x238: {  	v9 =	vld [tilespmem:s28+$0x5010];
	[tilespmem:s26+$0x15000] =	vst v8  }
0x239: {  	v8 =	vld [tilespmem:s28+$0x5020];
	[tilespmem:s26+$0x15010] =	vst v10  }
0x23a: {  	v10 =	vld [tilespmem:s28+$0x5030];
	v4 =	vmul.u32 $0x3, v4;
	[tilespmem:s26+$0x15020] =	vst v7  }
0x23b: {  	v5 =	vmul.u32 $0x3, v5;
	v7 =	vld [tilespmem:s28+$0x5040]  }
0x23c: {  	v12 =	vld [tilespmem:s28+$0x5050];
	v4 =	vadd.s32 v6, v4  }
0x23d: {  	v6 =	vmul.u32 $0x3, v9;
	v9 =	vld [tilespmem:s28+$0x5060];
	v4 =	vshll.u32 v4, $0x4  }
0x23e: {  	v13 =	vld [tilespmem:s28+$0xD000];
	v8 =	vmul.u32 $0x3, v8;
	v4 =	vor.u32 v0, v4  }
0x23f: {  	v14 =	vld [tilespmem:s28+$0xD010];
	v10 =	vmul.u32 $0x3, v10  }
0x240: {  	v15 =	vld [tilespmem:s28+$0xD020];
	v16 =	vmul.u32 $0x3, v7  }
0x241: {  	v7 =	vld [tilespmem:s28+$0xD030];
	v12 =	vmul.u32 $0x3, v12  }
0x242: {  	v17 =	vld [tilespmem:s28+$0xD040];
	v18 =	vmul.u32 $0x3, v9  }
0x243: {  	v5 =	vadd.s32 v13, v5;
	v9 =	vld.idx.msk [tilespmem:v4+s30+$0x0], $0xffff  }
0x244: {  	v4 =	vshll.u32 v5, $0x4;
	v5 =	vadd.s32 v14, v6;
	v13 =	vld [tilespmem:s28+$0xD050]  }
0x245: {  	v14 =	vor.u32 v0, v4;
	v4 =	vshll.u32 v5, $0x4;
	v5 =	vadd.s32 v15, v8;
	v15 =	vld [tilespmem:s28+$0xD060]  }
0x246: {  	v19 =	vor.u32 v0, v4;
	v5 =	vshll.u32 v5, $0x4;
	v6 =	vadd.s32 v7, v10;
	v4 =	vld.idx.msk [tilespmem:v1+s30+$0x0], $0xffff  }
.Ltmp5:
0x247: {  	v7 =	vor.u32 v0, v5;
	v1 =	vshll.u32 v6, $0x4;
	v6 =	vadd.s32 v17, v16;
	v5 =	vld.idx.msk [tilespmem:v2+s30+$0x0], $0xffff;
	(pc) =	sbr.rel @p0 .LBB2_12-.Ltmp5, $4  }
0x248: {  	v1 =	vor.u32 v0, v1;
	v2 =	vshll.u32 v6, $0x4;
	v6 =	vld.idx.msk [tilespmem:v3+s30+$0x0], $0xffff  }
0x249: {  	v2 =	vor.u32 v0, v2;
	v3 =	vadd.s32 v13, v12;
	[tilespmem:s28+$0x15070] =	vst v9;
	v9 =	vld.idx.msk [tilespmem:v11+s30+$0x0], $0xffff  }
0x24a: {  	v8 =	vld.idx.msk [tilespmem:v14+s30+$0x0], $0xffff;
	v3 =	vshll.u32 v3, $0x4;
	v11 =	vadd.s32 v15, v18  }
0x24b: {  	s20 =	sadd.s32 $0x200, s20;
	v10 =	vld.idx.msk [tilespmem:v19+s30+$0x0], $0xffff;
	v3 =	vor.u32 v0, v3;
	v11 =	vshll.u32 v11, $0x4  }
0x24c: {  	_ =	sdelay $0x2  }
0x24d: {  	v11 =	vor.u32 v0, v11;
	[tilespmem:s26+$0x15030] =	vst v4  }
0x24e: {  	v4 =	vld.idx.msk [tilespmem:v7+s30+$0x0], $0xffff;
	[tilespmem:s26+$0x15040] =	vst v5  }
0x24f: {  	v1 =	vld.idx.msk [tilespmem:v1+s30+$0x0], $0xffff;
	[tilespmem:s26+$0x15050] =	vst v6  }
0x250: {  	v2 =	vld.idx.msk [tilespmem:v2+s30+$0x0], $0xffff;
	[tilespmem:s26+$0x15060] =	vst v9  }
0x251: {  	v3 =	vld.idx.msk [tilespmem:v3+s30+$0x0], $0xffff;
	[tilespmem:s28+$0x15000] =	vst v8  }
0x252: {  	[tilespmem:s28+$0x15010] =	vst v10;
	v5 =	vld.idx.msk [tilespmem:v11+s30+$0x0], $0xffff  }
0x253: {  	[tilespmem:s28+$0x15020] =	vst v4  }
0x254: {  	[tilespmem:s28+$0x15030] =	vst v1  }
0x255: {  	[tilespmem:s28+$0x15040] =	vst v2  }
0x256: {  	[tilespmem:s28+$0x15050] =	vst v3  }
0x257: {  	[tilespmem:s28+$0x15060] =	vst v5  }
0x258: {  	s20 =	simm.s32 $0x0;
	s28 =	simm.s32 $0x15000;
	s26 =	rddreg [dreg:$0x1a]  }
0x259: {  	[hbm4b:s26+s20] =	stream.linear.scatter [tilespmem:s28], [sflag:$0x16], $0x1000, $0x38;
	[tilespmem:$0x18380] =	vst v63  }
0x25a: {  	_ =	swait.ge [sflag:s12], $0x1000  }
0x25b: {  	[sflag:s12] =	ssyncset.done $0x0  }
0x25c: {  	[sflag:s12] =	ssyncadd.s32 $0xFFFFF000  }
0x25d: {  	_ =	swait.ge [sflag:s13], $0x1000  }
0x25e: {  	[sflag:s13] =	ssyncset.done $0x0  }
0x25f: {  	s26 =	simm.s32 $0x0;
	[sflag:s13] =	ssyncadd.s32 $0xFFFFF000  }
0x260: {  	v1 =	vld [tilespmem:s26+$0x6070]  }
0x261: {  	v2 =	vld [tilespmem:s26+$0x6000]  }
0x262: {  	v3 =	vld [tilespmem:s26+$0xE070]  }
0x263: {  	v4 =	vld [tilespmem:s26+$0x6010]  }
0x264: {  	v5 =	vld [tilespmem:s26+$0x6020]  }
0x265: {  	v6 =	vld [tilespmem:s26+$0xE000]  }
0x266: {  	v7 =	vld [tilespmem:s26+$0xE010]  }
0x267: {  	v8 =	vld [tilespmem:s26+$0x6030]  }
0x268: {  	v9 =	vld [tilespmem:s26+$0x6040]  }
0x269: {  	v10 =	vld [tilespmem:s26+$0x6050]  }
0x26a: {  	v11 =	vld [tilespmem:s26+$0xE050]  }
0x26b: {  	s28 =	simm.s32 $0x80;
	v12 =	vld [tilespmem:s26+$0xE060]  }
0x26c: {  	v14 =	vld [tilespmem:s28+$0x6000];
	v4 =	vmul.u32 $0x3, v4  }
0x26d: {  	v15 =	vld [tilespmem:s28+$0xE070]  }
0x26e: {  	v16 =	vld [tilespmem:s28+$0x6010];
	v4 =	vadd.s32 v7, v4  }
0x26f: {  	v17 =	vld [tilespmem:s28+$0x6020];
	v4 =	vshll.u32 v4, $0x4  }
0x270: {  	v18 =	vld [tilespmem:s28+$0x6030];
	v4 =	vor.u32 v0, v4  }
0x271: {  	v19 =	vld [tilespmem:s28+$0x6040];
	v1 =	vmul.u32 $0x3, v1  }
0x272: {  	v20 =	vld [tilespmem:s28+$0x6050]  }
0x273: {  	v1 =	vadd.s32 v3, v1;
	v3 =	vld [tilespmem:s26+$0xE020]  }
0x274: {  	v7 =	vld [tilespmem:s26+$0xE030]  }
0x275: {  	v13 =	vld.idx.msk [tilespmem:v4+s30+$0x0], $0xffff  }
0x276: {  	v2 =	vmul.u32 $0x3, v2;
	v4 =	vld [tilespmem:s28+$0x6070]  }
0x277: {  	v56 =	vld [tilespmem:s28+$0x6060];
	v5 =	vmul.u32 $0x3, v5  }
0x278: {  	v8 =	vmul.u32 $0x3, v8;
	v10 =	vmul.u32 $0x3, v10;
	v2 =	vadd.s32 v6, v2;
	v6 =	vld [tilespmem:s26+$0x6060]  }
0x279: {  	v9 =	vmul.u32 $0x3, v9;
	v1 =	vshll.u32 v1, $0x4;
	v3 =	vadd.s32 v3, v5;
	v5 =	vld [tilespmem:s26+$0xE040]  }
0x27a: {  	v57 =	vld [tilespmem:s28+$0xE020];
	v10 =	vadd.s32 v11, v10;
	v2 =	vshll.u32 v2, $0x4;
	v1 =	vor.u32 v0, v1  }
0x27b: {  	v2 =	vor.u32 v0, v2;
	v7 =	vadd.s32 v7, v8;
	v8 =	vld [tilespmem:s28+$0xE000];
	v4 =	vmul.u32 $0x3, v4  }
0x27c: {  	v58 =	vld [tilespmem:s28+$0xE030];
	v16 =	vmul.u32 $0x3, v16;
	v11 =	vmul.u32 $0x3, v14;
	v10 =	vshll.u32 v10, $0x4  }
0x27d: {  	v60 =	vld [tilespmem:s28+$0xE050];
	v6 =	vmul.u32 $0x3, v6;
	v3 =	vshll.u32 v3, $0x4;
	v4 =	vadd.s32 v15, v4  }
0x27e: {  	v3 =	vor.u32 v0, v3;
	v5 =	vadd.s32 v5, v9;
	v9 =	vld [tilespmem:s28+$0xE010];
	v4 =	vshll.u32 v4, $0x4  }
0x27f: {  	v7 =	vshll.u32 v7, $0x4;
	v1 =	vld.idx.msk [tilespmem:v1+s30+$0x0], $0xffff;
	v5 =	vshll.u32 v5, $0x4;
	v4 =	vor.u32 v0, v4  }
0x280: {  	v2 =	vld.idx.msk [tilespmem:v2+s30+$0x0], $0xffff;
	v6 =	vadd.s32 v12, v6;
	v8 =	vadd.s32 v8, v11;
	v5 =	vor.u32 v0, v5  }
0x281: {  	v61 =	vld [tilespmem:s28+$0xE060];
	v7 =	vor.u32 v0, v7;
	v6 =	vshll.u32 v6, $0x4;
	v8 =	vshll.u32 v8, $0x4  }
0x282: {  	v21 =	vor.u32 v0, v6;
	v6 =	vmul.u32 $0x3, v17;
	v11 =	vld [tilespmem:s28+$0xE040];
	v8 =	vor.u32 v0, v8  }
0x283: {  	v63 =	vmul.u32 $0x3, v56;
	v10 =	vor.u32 v0, v10;
	v3 =	vld.idx.msk [tilespmem:v3+s30+$0x0], $0xffff;
	v9 =	vadd.s32 v9, v16  }
0x284: {  	v6 =	vadd.s32 v57, v6;
	[tilespmem:s26+$0x16070] =	vst v1;
	v1 =	vshll.u32 v9, $0x4;
	v59 =	vld.idx.msk [tilespmem:v4+s30+$0x0], $0xffff;
	v4 =	vmul.u32 $0x3, v18  }
0x285: {  	[tilespmem:s26+$0x16000] =	vst v2;
	v2 =	vmul.u32 $0x3, v20;
	v6 =	vshll.u32 v6, $0x4;
	v62 =	vor.u32 v0, v1;
	v5 =	vld.idx.msk [tilespmem:v5+s30+$0x0], $0xffff  }
0x286: {  	v1 =	vmul.u32 $0x3, v19;
	v9 =	vadd.s32 v58, v4;
	v4 =	vld.idx.msk [tilespmem:v7+s30+$0x0], $0xffff;
	v7 =	vor.u32 v0, v6  }
0x287: {  	[tilespmem:s26+$0x16010] =	vst v13;
	v13 =	vadd.s32 v61, v63;
	v8 =	vld.idx.msk [tilespmem:v8+s30+$0x0], $0xffff  }
0x288: {  	v2 =	vadd.s32 v60, v2;
	v6 =	vld.idx.msk [tilespmem:v10+s30+$0x0], $0xffff;
	v10 =	vadd.s32 v11, v1;
	v9 =	vshll.u32 v9, $0x4  }
0x289: {  	[tilespmem:s26+$0x16020] =	vst v3;
	v11 =	vshll.u32 v2, $0x4;
	v3 =	vshll.u32 v10, $0x4;
	v1 =	vor.u32 v0, v9;
	v9 =	vld.idx.msk [tilespmem:v21+s30+$0x0], $0xffff  }
0x28a: {  	s29 =	simm.s32 $0x6080;
	s20 =	simm.s32 $0x400;
	v10 =	vld.idx.msk [tilespmem:v62+s30+$0x0], $0xffff;
	v2 =	vor.u32 v0, v3;
	v3 =	vor.u32 v0, v11;
	v11 =	vshll.u32 v13, $0x4;
	[tilespmem:s28+$0x16070] =	vst v59  }
.LBB2_14:
0x28b: {  	s31 =	sshra.s32 s20, $0x2;
	s29 =	sadd.s32 $0x80, s29;
	v7 =	vld.idx.msk [tilespmem:v7+s30+$0x0], $0xffff;
	v11 =	vor.u32 v0, v11;
	[tilespmem:s26+$0x16030] =	vst v4  }
0x28c: {  	v4 =	vld [tilespmem:s31+$0x6070];
	p0 =	slt.u32 s29, $0x6F80;
	[tilespmem:s26+$0x16040] =	vst v5  }
0x28d: {  	v5 =	vld [tilespmem:s31+$0x6000];
	[tilespmem:s26+$0x16050] =	vst v6  }
0x28e: {  	v6 =	vld [tilespmem:s31+$0xE070];
	[tilespmem:s26+$0x16060] =	vst v9;
	s26 =	smov.u32 s28;
	s28 =	smov.u32 s31  }
0x28f: {  	v9 =	vld [tilespmem:s28+$0x6010];
	[tilespmem:s26+$0x16000] =	vst v8  }
0x290: {  	v8 =	vld [tilespmem:s28+$0x6020];
	[tilespmem:s26+$0x16010] =	vst v10  }
0x291: {  	v10 =	vld [tilespmem:s28+$0x6030];
	v4 =	vmul.u32 $0x3, v4;
	[tilespmem:s26+$0x16020] =	vst v7  }
0x292: {  	v5 =	vmul.u32 $0x3, v5;
	v7 =	vld [tilespmem:s28+$0x6040]  }
0x293: {  	v12 =	vld [tilespmem:s28+$0x6050];
	v4 =	vadd.s32 v6, v4  }
0x294: {  	v6 =	vmul.u32 $0x3, v9;
	v9 =	vld [tilespmem:s28+$0x6060];
	v4 =	vshll.u32 v4, $0x4  }
0x295: {  	v13 =	vld [tilespmem:s28+$0xE000];
	v8 =	vmul.u32 $0x3, v8;
	v4 =	vor.u32 v0, v4  }
0x296: {  	v14 =	vld [tilespmem:s28+$0xE010];
	v10 =	vmul.u32 $0x3, v10  }
0x297: {  	v15 =	vld [tilespmem:s28+$0xE020];
	v16 =	vmul.u32 $0x3, v7  }
0x298: {  	v7 =	vld [tilespmem:s28+$0xE030];
	v12 =	vmul.u32 $0x3, v12  }
0x299: {  	v17 =	vld [tilespmem:s28+$0xE040];
	v18 =	vmul.u32 $0x3, v9  }
0x29a: {  	v5 =	vadd.s32 v13, v5;
	v9 =	vld.idx.msk [tilespmem:v4+s30+$0x0], $0xffff  }
0x29b: {  	v4 =	vshll.u32 v5, $0x4;
	v5 =	vadd.s32 v14, v6;
	v13 =	vld [tilespmem:s28+$0xE050]  }
0x29c: {  	v14 =	vor.u32 v0, v4;
	v4 =	vshll.u32 v5, $0x4;
	v5 =	vadd.s32 v15, v8;
	v15 =	vld [tilespmem:s28+$0xE060]  }
0x29d: {  	v19 =	vor.u32 v0, v4;
	v5 =	vshll.u32 v5, $0x4;
	v6 =	vadd.s32 v7, v10;
	v4 =	vld.idx.msk [tilespmem:v1+s30+$0x0], $0xffff  }
.Ltmp6:
0x29e: {  	v7 =	vor.u32 v0, v5;
	v1 =	vshll.u32 v6, $0x4;
	v6 =	vadd.s32 v17, v16;
	v5 =	vld.idx.msk [tilespmem:v2+s30+$0x0], $0xffff;
	(pc) =	sbr.rel @p0 .LBB2_14-.Ltmp6, $4  }
0x29f: {  	v1 =	vor.u32 v0, v1;
	v2 =	vshll.u32 v6, $0x4;
	v6 =	vld.idx.msk [tilespmem:v3+s30+$0x0], $0xffff  }
0x2a0: {  	v2 =	vor.u32 v0, v2;
	v3 =	vadd.s32 v13, v12;
	[tilespmem:s28+$0x16070] =	vst v9;
	v9 =	vld.idx.msk [tilespmem:v11+s30+$0x0], $0xffff  }
0x2a1: {  	v8 =	vld.idx.msk [tilespmem:v14+s30+$0x0], $0xffff;
	v3 =	vshll.u32 v3, $0x4;
	v11 =	vadd.s32 v15, v18  }
0x2a2: {  	s20 =	sadd.s32 $0x200, s20;
	v10 =	vld.idx.msk [tilespmem:v19+s30+$0x0], $0xffff;
	v3 =	vor.u32 v0, v3;
	v11 =	vshll.u32 v11, $0x4  }
0x2a3: {  	_ =	sdelay $0x2  }
0x2a4: {  	v11 =	vor.u32 v0, v11;
	[tilespmem:s26+$0x16030] =	vst v4  }
0x2a5: {  	v4 =	vld.idx.msk [tilespmem:v7+s30+$0x0], $0xffff;
	[tilespmem:s26+$0x16040] =	vst v5  }
0x2a6: {  	v1 =	vld.idx.msk [tilespmem:v1+s30+$0x0], $0xffff;
	[tilespmem:s26+$0x16050] =	vst v6  }
0x2a7: {  	v2 =	vld.idx.msk [tilespmem:v2+s30+$0x0], $0xffff;
	[tilespmem:s26+$0x16060] =	vst v9  }
0x2a8: {  	v3 =	vld.idx.msk [tilespmem:v3+s30+$0x0], $0xffff;
	[tilespmem:s28+$0x16000] =	vst v8  }
0x2a9: {  	[tilespmem:s28+$0x16010] =	vst v10;
	v5 =	vld.idx.msk [tilespmem:v11+s30+$0x0], $0xffff  }
0x2aa: {  	[tilespmem:s28+$0x16020] =	vst v4  }
0x2ab: {  	[tilespmem:s28+$0x16030] =	vst v1  }
0x2ac: {  	[tilespmem:s28+$0x16040] =	vst v2  }
0x2ad: {  	[tilespmem:s28+$0x16050] =	vst v3  }
0x2ae: {  	[tilespmem:s28+$0x16060] =	vst v5  }
0x2af: {  	s20 =	simm.s32 $0x0;
	s28 =	simm.s32 $0x16000;
	s26 =	rddreg [dreg:$0x1b]  }
0x2b0: {  	[hbm4b:s26+s20] =	stream.linear.scatter [tilespmem:s28], [sflag:$0x17], $0x1000, $0x38;
	[tilespmem:$0x18380] =	vst v63  }
0x2b1: {  	_ =	swait.ge [sflag:s14], $0x1000  }
0x2b2: {  	[sflag:s14] =	ssyncset.done $0x0  }
0x2b3: {  	[sflag:s14] =	ssyncadd.s32 $0xFFFFF000  }
0x2b4: {  	_ =	swait.ge [sflag:s15], $0x1000  }
0x2b5: {  	[sflag:s15] =	ssyncset.done $0x0  }
0x2b6: {  	s26 =	simm.s32 $0x0;
	[sflag:s15] =	ssyncadd.s32 $0xFFFFF000  }
0x2b7: {  	v1 =	vld [tilespmem:s26+$0x7070]  }
0x2b8: {  	v2 =	vld [tilespmem:s26+$0x7000]  }
0x2b9: {  	v3 =	vld [tilespmem:s26+$0xF070]  }
0x2ba: {  	v4 =	vld [tilespmem:s26+$0x7010]  }
0x2bb: {  	v5 =	vld [tilespmem:s26+$0x7020]  }
0x2bc: {  	v6 =	vld [tilespmem:s26+$0xF000]  }
0x2bd: {  	v7 =	vld [tilespmem:s26+$0xF010]  }
0x2be: {  	v8 =	vld [tilespmem:s26+$0x7030]  }
0x2bf: {  	v9 =	vld [tilespmem:s26+$0x7040]  }
0x2c0: {  	v10 =	vld [tilespmem:s26+$0x7050]  }
0x2c1: {  	v11 =	vld [tilespmem:s26+$0xF050]  }
0x2c2: {  	s28 =	simm.s32 $0x80;
	v12 =	vld [tilespmem:s26+$0xF060]  }
0x2c3: {  	v14 =	vld [tilespmem:s28+$0x7000];
	v4 =	vmul.u32 $0x3, v4  }
0x2c4: {  	v15 =	vld [tilespmem:s28+$0xF070]  }
0x2c5: {  	v16 =	vld [tilespmem:s28+$0x7010];
	v4 =	vadd.s32 v7, v4  }
0x2c6: {  	v17 =	vld [tilespmem:s28+$0x7020];
	v4 =	vshll.u32 v4, $0x4  }
0x2c7: {  	v18 =	vld [tilespmem:s28+$0x7030];
	v4 =	vor.u32 v0, v4  }
0x2c8: {  	v19 =	vld [tilespmem:s28+$0x7040];
	v1 =	vmul.u32 $0x3, v1  }
0x2c9: {  	v20 =	vld [tilespmem:s28+$0x7050]  }
0x2ca: {  	v1 =	vadd.s32 v3, v1;
	v3 =	vld [tilespmem:s26+$0xF020]  }
0x2cb: {  	v7 =	vld [tilespmem:s26+$0xF030]  }
0x2cc: {  	v13 =	vld.idx.msk [tilespmem:v4+s30+$0x0], $0xffff  }
0x2cd: {  	v2 =	vmul.u32 $0x3, v2;
	v4 =	vld [tilespmem:s28+$0x7070]  }
0x2ce: {  	v56 =	vld [tilespmem:s28+$0x7060];
	v5 =	vmul.u32 $0x3, v5  }
0x2cf: {  	v8 =	vmul.u32 $0x3, v8;
	v10 =	vmul.u32 $0x3, v10;
	v2 =	vadd.s32 v6, v2;
	v6 =	vld [tilespmem:s26+$0x7060]  }
0x2d0: {  	v9 =	vmul.u32 $0x3, v9;
	v1 =	vshll.u32 v1, $0x4;
	v3 =	vadd.s32 v3, v5;
	v5 =	vld [tilespmem:s26+$0xF040]  }
0x2d1: {  	v57 =	vld [tilespmem:s28+$0xF020];
	v10 =	vadd.s32 v11, v10;
	v2 =	vshll.u32 v2, $0x4;
	v1 =	vor.u32 v0, v1  }
0x2d2: {  	v2 =	vor.u32 v0, v2;
	v7 =	vadd.s32 v7, v8;
	v8 =	vld [tilespmem:s28+$0xF000];
	v4 =	vmul.u32 $0x3, v4  }
0x2d3: {  	v58 =	vld [tilespmem:s28+$0xF030];
	v16 =	vmul.u32 $0x3, v16;
	v11 =	vmul.u32 $0x3, v14;
	v10 =	vshll.u32 v10, $0x4  }
0x2d4: {  	v60 =	vld [tilespmem:s28+$0xF050];
	v6 =	vmul.u32 $0x3, v6;
	v3 =	vshll.u32 v3, $0x4;
	v4 =	vadd.s32 v15, v4  }
0x2d5: {  	v3 =	vor.u32 v0, v3;
	v5 =	vadd.s32 v5, v9;
	v9 =	vld [tilespmem:s28+$0xF010];
	v4 =	vshll.u32 v4, $0x4  }
0x2d6: {  	v7 =	vshll.u32 v7, $0x4;
	v1 =	vld.idx.msk [tilespmem:v1+s30+$0x0], $0xffff;
	v5 =	vshll.u32 v5, $0x4;
	v4 =	vor.u32 v0, v4  }
0x2d7: {  	v2 =	vld.idx.msk [tilespmem:v2+s30+$0x0], $0xffff;
	v6 =	vadd.s32 v12, v6;
	v8 =	vadd.s32 v8, v11;
	v5 =	vor.u32 v0, v5  }
0x2d8: {  	v61 =	vld [tilespmem:s28+$0xF060];
	v7 =	vor.u32 v0, v7;
	v6 =	vshll.u32 v6, $0x4;
	v8 =	vshll.u32 v8, $0x4  }
0x2d9: {  	v21 =	vor.u32 v0, v6;
	v6 =	vmul.u32 $0x3, v17;
	v11 =	vld [tilespmem:s28+$0xF040];
	v8 =	vor.u32 v0, v8  }
0x2da: {  	v63 =	vmul.u32 $0x3, v56;
	v10 =	vor.u32 v0, v10;
	v3 =	vld.idx.msk [tilespmem:v3+s30+$0x0], $0xffff;
	v9 =	vadd.s32 v9, v16  }
0x2db: {  	v6 =	vadd.s32 v57, v6;
	[tilespmem:s26+$0x17070] =	vst v1;
	v1 =	vshll.u32 v9, $0x4;
	v59 =	vld.idx.msk [tilespmem:v4+s30+$0x0], $0xffff;
	v4 =	vmul.u32 $0x3, v18  }
0x2dc: {  	[tilespmem:s26+$0x17000] =	vst v2;
	v2 =	vmul.u32 $0x3, v20;
	v6 =	vshll.u32 v6, $0x4;
	v62 =	vor.u32 v0, v1;
	v5 =	vld.idx.msk [tilespmem:v5+s30+$0x0], $0xffff  }
0x2dd: {  	v1 =	vmul.u32 $0x3, v19;
	v9 =	vadd.s32 v58, v4;
	v4 =	vld.idx.msk [tilespmem:v7+s30+$0x0], $0xffff;
	v7 =	vor.u32 v0, v6  }
0x2de: {  	[tilespmem:s26+$0x17010] =	vst v13;
	v13 =	vadd.s32 v61, v63;
	v8 =	vld.idx.msk [tilespmem:v8+s30+$0x0], $0xffff  }
0x2df: {  	v2 =	vadd.s32 v60, v2;
	v6 =	vld.idx.msk [tilespmem:v10+s30+$0x0], $0xffff;
	v10 =	vadd.s32 v11, v1;
	v9 =	vshll.u32 v9, $0x4  }
0x2e0: {  	[tilespmem:s26+$0x17020] =	vst v3;
	v11 =	vshll.u32 v2, $0x4;
	v3 =	vshll.u32 v10, $0x4;
	v1 =	vor.u32 v0, v9;
	v9 =	vld.idx.msk [tilespmem:v21+s30+$0x0], $0xffff  }
0x2e1: {  	s29 =	simm.s32 $0x7080;
	s20 =	simm.s32 $0x400;
	v10 =	vld.idx.msk [tilespmem:v62+s30+$0x0], $0xffff;
	v2 =	vor.u32 v0, v3;
	v3 =	vor.u32 v0, v11;
	v11 =	vshll.u32 v13, $0x4;
	[tilespmem:s28+$0x17070] =	vst v59  }
.LBB2_16:
0x2e2: {  	s31 =	sshra.s32 s20, $0x2;
	s29 =	sadd.s32 $0x80, s29;
	v7 =	vld.idx.msk [tilespmem:v7+s30+$0x0], $0xffff;
	v11 =	vor.u32 v0, v11;
	[tilespmem:s26+$0x17030] =	vst v4  }
0x2e3: {  	v4 =	vld [tilespmem:s31+$0x7070];
	p0 =	slt.u32 s29, $0x7F80;
	[tilespmem:s26+$0x17040] =	vst v5  }
0x2e4: {  	v5 =	vld [tilespmem:s31+$0x7000];
	[tilespmem:s26+$0x17050] =	vst v6  }
0x2e5: {  	v6 =	vld [tilespmem:s31+$0xF070];
	[tilespmem:s26+$0x17060] =	vst v9;
	s26 =	smov.u32 s28;
	s28 =	smov.u32 s31  }
0x2e6: {  	v9 =	vld [tilespmem:s28+$0x7010];
	[tilespmem:s26+$0x17000] =	vst v8  }
0x2e7: {  	v8 =	vld [tilespmem:s28+$0x7020];
	[tilespmem:s26+$0x17010] =	vst v10  }
0x2e8: {  	v10 =	vld [tilespmem:s28+$0x7030];
	v4 =	vmul.u32 $0x3, v4;
	[tilespmem:s26+$0x17020] =	vst v7  }
0x2e9: {  	v5 =	vmul.u32 $0x3, v5;
	v7 =	vld [tilespmem:s28+$0x7040]  }
0x2ea: {  	v12 =	vld [tilespmem:s28+$0x7050];
	v4 =	vadd.s32 v6, v4  }
0x2eb: {  	v6 =	vmul.u32 $0x3, v9;
	v9 =	vld [tilespmem:s28+$0x7060];
	v4 =	vshll.u32 v4, $0x4  }
0x2ec: {  	v13 =	vld [tilespmem:s28+$0xF000];
	v8 =	vmul.u32 $0x3, v8;
	v4 =	vor.u32 v0, v4  }
0x2ed: {  	v14 =	vld [tilespmem:s28+$0xF010];
	v10 =	vmul.u32 $0x3, v10  }
0x2ee: {  	v15 =	vld [tilespmem:s28+$0xF020];
	v16 =	vmul.u32 $0x3, v7  }
0x2ef: {  	v7 =	vld [tilespmem:s28+$0xF030];
	v12 =	vmul.u32 $0x3, v12  }
0x2f0: {  	v17 =	vld [tilespmem:s28+$0xF040];
	v18 =	vmul.u32 $0x3, v9  }
0x2f1: {  	v5 =	vadd.s32 v13, v5;
	v9 =	vld.idx.msk [tilespmem:v4+s30+$0x0], $0xffff  }
0x2f2: {  	v4 =	vshll.u32 v5, $0x4;
	v5 =	vadd.s32 v14, v6;
	v13 =	vld [tilespmem:s28+$0xF050]  }
0x2f3: {  	v14 =	vor.u32 v0, v4;
	v4 =	vshll.u32 v5, $0x4;
	v5 =	vadd.s32 v15, v8;
	v15 =	vld [tilespmem:s28+$0xF060]  }
0x2f4: {  	v19 =	vor.u32 v0, v4;
	v5 =	vshll.u32 v5, $0x4;
	v6 =	vadd.s32 v7, v10;
	v4 =	vld.idx.msk [tilespmem:v1+s30+$0x0], $0xffff  }
.Ltmp7:
0x2f5: {  	v7 =	vor.u32 v0, v5;
	v1 =	vshll.u32 v6, $0x4;
	v6 =	vadd.s32 v17, v16;
	v5 =	vld.idx.msk [tilespmem:v2+s30+$0x0], $0xffff;
	(pc) =	sbr.rel @p0 .LBB2_16-.Ltmp7, $4  }
0x2f6: {  	v1 =	vor.u32 v0, v1;
	v2 =	vshll.u32 v6, $0x4;
	v6 =	vld.idx.msk [tilespmem:v3+s30+$0x0], $0xffff  }
0x2f7: {  	v2 =	vor.u32 v0, v2;
	v3 =	vadd.s32 v13, v12;
	[tilespmem:s28+$0x17070] =	vst v9;
	v9 =	vld.idx.msk [tilespmem:v11+s30+$0x0], $0xffff  }
0x2f8: {  	v8 =	vld.idx.msk [tilespmem:v14+s30+$0x0], $0xffff;
	v3 =	vshll.u32 v3, $0x4;
	v11 =	vadd.s32 v15, v18  }
0x2f9: {  	s20 =	sadd.s32 $0x200, s20;
	v10 =	vld.idx.msk [tilespmem:v19+s30+$0x0], $0xffff;
	v3 =	vor.u32 v0, v3;
	v11 =	vshll.u32 v11, $0x4  }
0x2fa: {  	_ =	sdelay $0x2  }
0x2fb: {  	v11 =	vor.u32 v0, v11;
	[tilespmem:s26+$0x17030] =	vst v4  }
0x2fc: {  	v62 =	vld.idx.msk [tilespmem:v7+s30+$0x0], $0xffff;
	[tilespmem:s26+$0x17040] =	vst v5  }
0x2fd: {  	v1 =	vld.idx.msk [tilespmem:v1+s30+$0x0], $0xffff;
	[tilespmem:s26+$0x17050] =	vst v6  }
0x2fe: {  	v2 =	vld.idx.msk [tilespmem:v2+s30+$0x0], $0xffff;
	[tilespmem:s26+$0x17060] =	vst v9  }
0x2ff: {  	v3 =	vld.idx.msk [tilespmem:v3+s30+$0x0], $0xffff;
	[tilespmem:s28+$0x17000] =	vst v8  }
0x300: {  	[tilespmem:s28+$0x17010] =	vst v10;
	v63 =	vld.idx.msk [tilespmem:v11+s30+$0x0], $0xffff  }
0x301: {  	[tilespmem:s28+$0x17020] =	vst v62  }
0x302: {  	[tilespmem:s28+$0x17030] =	vst v1  }
0x303: {  	[tilespmem:s28+$0x17040] =	vst v2  }
0x304: {  	[tilespmem:s28+$0x17050] =	vst v3  }
0x305: {  	[tilespmem:s28+$0x17060] =	vst v63  }
0x306: {  	s29 =	simm.s32 $0x17000;
	s20 =	rddreg [dreg:$0x1c]  }
0x307: {  	[hbm4b:s20+s1] =	stream.linear.scatter [tilespmem:s29], [sflag:$0x18], $0x1000, $0x38;
	[tilespmem:$0x18380] =	vst v63  }
0x308: {  	_ =	swait.ge [sflag:s16], $0x1000  }
0x309: {  	[sflag:s16] =	ssyncset.done $0x0  }
0x30a: {  	[sflag:s16] =	ssyncadd.s32 $0xFFFFF000  }
0x30b: {  	_ =	swait.ge [sflag:s17], $0x1000  }
0x30c: {  	[sflag:s17] =	ssyncset.done $0x0  }
0x30d: {  	[sflag:s17] =	ssyncadd.s32 $0xFFFFF000  }
0x30e: {  	_ =	swait.ge [sflag:s18], $0x1000  }
0x30f: {  	[sflag:s18] =	ssyncset.done $0x0  }
0x310: {  	[sflag:s18] =	ssyncadd.s32 $0xFFFFF000  }
0x311: {  	_ =	swait.ge [sflag:s19], $0x1000  }
0x312: {  	[sflag:s19] =	ssyncset.done $0x0  }
0x313: {  	[sflag:s19] =	ssyncadd.s32 $0xFFFFF000  }
0x314: {  	_ =	swait.ge [sflag:s21], $0x1000  }
0x315: {  	[sflag:s21] =	ssyncset.done $0x0  }
0x316: {  	[sflag:s21] =	ssyncadd.s32 $0xFFFFF000  }
0x317: {  	_ =	swait.ge [sflag:s22], $0x1000  }
0x318: {  	[sflag:s22] =	ssyncset.done $0x0  }
0x319: {  	[sflag:s22] =	ssyncadd.s32 $0xFFFFF000  }
0x31a: {  	_ =	swait.ge [sflag:s23], $0x1000  }
0x31b: {  	[sflag:s23] =	ssyncset.done $0x0  }
0x31c: {  	[sflag:s23] =	ssyncadd.s32 $0xFFFFF000  }
0x31d: {  	_ =	swait.ge [sflag:s24], $0x1000  }
0x31e: {  	s25 =	sadd.s32 $0x1, s25;
	s31 =	rddreg [dreg:$0x1e]  }
0x31f: {  	p0 =	sne.s32 s25, s31  }
.Ltmp8:
0x320: {  	_ = 	snop;
	(pc) =	sbr.rel @p0 .LBB2_1-.Ltmp8, $3  }
0x321: {  	_ =	sdelay $0x1  }
0x322: {  	[sflag:s24] =	ssyncset.done $0x0  }
0x323: {  	[sflag:s24] =	ssyncadd.s32 $0xFFFFF000  }
0x324: {  	_ =	sfence.sel $0x180000  }
0x325: {  	[bflag:$0x0] =	sbarrier.arrive $0xFFFF  }
0x326: {  	_ =	strace $0x90000047  }
0x327: {  	s0 =	stileid.u32;
	[bflag:$0x2] =	sbarrier.arrive $0xFFFF  }
0x328: {  	p0 =	sne.s32 s0, $0x0;
	s0 =	rddreg [dreg:$0x4]  }
0x329: {  	s0 =	sadd.s32 @!p0 $0x100000, s0  }
0x32a: {  	[sflag:s0] =	ssyncadd.tile.s32 @!p0 $0x1;
	_ =	shalt  }
.Lfunc_end2:
_tile_overlayer_lowered:
.L_overlay_start_2:
0x32b: {  	(tag) =	ssettag $0x2  }
0x32c: {  	s0 =	rddreg [dreg:$0x0];
	s2 =	stileid.u32  }
0x32d: {  	s1 =	rddreg [dreg:$0x1];
	p0 =	sne.s32 s2, $0x0  }
0x32e: {  	s3 =	rddreg [dreg:$0x2];
	[bflag:$0x3] =	sbarrier.arrive $0xFFFF;
	s2 =	simm.s32 @!p0 $0x1C1A  }
0x32f: {  	[timem:s3], [sflag:s2] =	dma.local @!p0 [hbm:s0], s1  }
0x330: {  	s0 =	simm.s32 @!p0 $0x1A  }
0x331: {  	_ =	swait.ge @!p0 [sflag:s0], s1  }
0x332: {  	s1 =	ssub.s32 @!p0 $0x0, s1;
	[sflag:s0] =	ssyncset.done @!p0 $0x0  }
0x333: {  	[sflag:s0] =	ssyncadd.s32 @!p0 s1  }
0x334: {  	[bflag:$0x3] =	sbarrier.arrive $0xFFFF  }
0x335: {  	_ =	shalt  }

</sc_bundles>
